<compile_context>
chip_gen: v7x
topology: tpu7x:2x2x1
jax: 0.10.2.dev20260603
libtpu: 0.0.44.dev20260713+nightly
codegen_flags: <defaults>
</compile_context>

<pallas_src>
import functools

import jax
import jax.numpy as jnp
from jax import lax
from jax.experimental import pallas as pl
from jax.experimental.pallas import tpu as pltpu
from jax.experimental.pallas import tpu_sc as plsc

N = 10000
D = 128
E = 320000
H = 512

NC = 2
NS = 16
NW = NC * NS
CHUNK = 128
CH = 80
EPAD = NW * CH * CHUNK
NTRASH = 112
NPAD = N + NTRASH
ROWS_PT = NPAD // NS

_mesh = plsc.VectorSubcoreMesh(
    core_axis_name="c", subcore_axis_name="s", num_cores=NC, num_subcores=NS
)


@functools.partial(
    pl.kernel,
    out_type=jax.ShapeDtypeStruct((NC, NPAD, D), jnp.float32),
    mesh=_mesh,
    scratch_types=[
        pltpu.VMEM((CH // 2, CHUNK), jnp.int32),
        pltpu.VMEM((CH // 2, CHUNK), jnp.int32),
        pltpu.VMEM((CHUNK, D), jnp.float32),
        pltpu.VMEM((CHUNK, D), jnp.float32),
        pltpu.VMEM_SHARED((NPAD, D), jnp.float32),
        pltpu.SemaphoreType.DMA,
        pltpu.SemaphoreType.DMA,
    ],
)
def _sc_segment_sum(x_hbm, src_hbm, dst_hbm, zeros_hbm, out_hbm,
                    src_v, dst_v, rows0, rows1, accum, sem0, sem1):
    c = lax.axis_index("c")
    s = lax.axis_index("s")
    wid = s * NC + c
    r0 = s * ROWS_PT
    pltpu.sync_copy(zeros_hbm.at[pl.ds(r0, ROWS_PT)], accum.at[pl.ds(r0, ROWS_PT)])
    plsc.subcore_barrier()

    PH = CH // 2
    half = PH // 2
    for p in range(2):
        pltpu.sync_copy(src_hbm.at[wid, pl.ds(p * PH, PH)], src_v)
        pltpu.sync_copy(dst_hbm.at[wid, pl.ds(p * PH, PH)], dst_v)
        pltpu.async_copy(x_hbm.at[src_v.at[0]], rows0, sem0)
        pltpu.async_copy(x_hbm.at[src_v.at[1]], rows1, sem1)

        def body(jj, carry):
            j0 = 2 * jj
            pltpu.make_async_copy(x_hbm.at[src_v.at[0]], rows0, sem0).wait()
            pltpu.sync_copy(rows0, accum.at[dst_v.at[j0]], add=True)

            @pl.when(jj < half - 1)
            def _():
                pltpu.async_copy(x_hbm.at[src_v.at[j0 + 2]], rows0, sem0)

            pltpu.make_async_copy(x_hbm.at[src_v.at[1]], rows1, sem1).wait()
            pltpu.sync_copy(rows1, accum.at[dst_v.at[j0 + 1]], add=True)

            @pl.when(jj < half - 1)
            def _():
                pltpu.async_copy(x_hbm.at[src_v.at[j0 + 3]], rows1, sem1)

            return carry

        lax.fori_loop(0, half, body, 0)
    plsc.subcore_barrier()
    pltpu.sync_copy(accum.at[pl.ds(r0, ROWS_PT)],
                    out_hbm.at[c, pl.ds(r0, ROWS_PT)])


BN = 2000


def _mlp_body(x_ref, p_ref, w1a_ref, w1b_ref, b1_ref, w2_ref, b2_ref,
              w3_ref, b3_ref, o_ref):
    sm = p_ref[0] + p_ref[1]
    h = jnp.dot(x_ref[...], w1a_ref[...], preferred_element_type=jnp.float32)
    h = h + jnp.dot(sm, w1b_ref[...], preferred_element_type=jnp.float32)
    h = h + b1_ref[...]
    h = jnp.where(h >= 0, h, 0.1 * h)
    h = jnp.dot(h, w2_ref[...], preferred_element_type=jnp.float32) + b2_ref[...]
    h = jnp.where(h >= 0, h, 0.1 * h)
    o_ref[...] = jnp.dot(h, w3_ref[...], preferred_element_type=jnp.float32) + b3_ref[...]


def _mlp(x, partials, W1a, W1b, b1, W2, b2, W3, b3):
    return pl.pallas_call(
        _mlp_body,
        grid=(N // BN,),
        in_specs=[
            pl.BlockSpec((BN, D), lambda i: (i, 0)),
            pl.BlockSpec((NC, BN, D), lambda i: (0, i, 0)),
            pl.BlockSpec((D, H), lambda i: (0, 0)),
            pl.BlockSpec((D, H), lambda i: (0, 0)),
            pl.BlockSpec((1, H), lambda i: (0, 0)),
            pl.BlockSpec((H, H), lambda i: (0, 0)),
            pl.BlockSpec((1, H), lambda i: (0, 0)),
            pl.BlockSpec((H, 1), lambda i: (0, 0)),
            pl.BlockSpec((1, 1), lambda i: (0, 0)),
        ],
        out_specs=pl.BlockSpec((BN, 1), lambda i: (i, 0)),
        out_shape=jax.ShapeDtypeStruct((N, 1), jnp.float32),
    )(x, partials, W1a, W1b, b1, W2, b2, W3, b3)


def kernel(x, edge_index, W1, b1, W2, b2, W3, b3):
    src = edge_index[0]
    dst = edge_index[1]
    pad = EPAD - E
    pi = jnp.arange(pad, dtype=jnp.int32)
    src_p = jnp.concatenate([src, pi % N]).reshape(NW, CH, CHUNK)
    dst_p = jnp.concatenate([dst, N + (pi % NTRASH)]).reshape(NW, CH, CHUNK)
    zeros = jnp.zeros((NPAD, D), jnp.float32)
    partials = _sc_segment_sum(x, src_p, dst_p, zeros)
    score = _mlp(x, partials, W1[:D], W1[D:], b1.reshape(1, H),
                 W2, b2.reshape(1, H), W3, b3.reshape(1, 1))
    return score

# --- scband reference (transcript-rebuilt; emitter-appended) ---
"""Pipeline reference for scband-scaffold-gan-41274635714925 (READ-ONLY COPY).

The authoritative reference and input builder live on the scoring server;
editing this copy changes nothing except your own understanding.
"""

import jax, jax.numpy as jnp
import numpy as np

N_NODES = 10000
N_EDGES = 320000
D_FEAT = 128
HIDDEN = 512


def setup_inputs(seed: int = 0) -> dict:
    key = jax.random.key(seed)
    ks = jax.random.split(key, 9)
    x = jax.random.normal(ks[0], (N_NODES, D_FEAT), dtype=jnp.float32)
    edge_index = jax.random.randint(ks[1], (2, N_EDGES), 0, N_NODES, dtype=jnp.int32)
    # netD = Linear(2*d, H) -> LeakyReLU(0.1) -> Linear(H, H) -> LeakyReLU(0.1) -> Linear(H, 1)
    W1 = jax.random.normal(ks[2], (2 * D_FEAT, HIDDEN), dtype=jnp.float32) * (1.0 / np.sqrt(2 * D_FEAT))
    b1 = jnp.zeros((HIDDEN,), dtype=jnp.float32)
    W2 = jax.random.normal(ks[3], (HIDDEN, HIDDEN), dtype=jnp.float32) * (1.0 / np.sqrt(HIDDEN))
    b2 = jnp.zeros((HIDDEN,), dtype=jnp.float32)
    W3 = jax.random.normal(ks[4], (HIDDEN, 1), dtype=jnp.float32) * (1.0 / np.sqrt(HIDDEN))
    b3 = jnp.zeros((1,), dtype=jnp.float32)
    return {"x": x, "edge_index": edge_index, "W1": W1, "b1": b1, "W2": W2, "b2": b2, "W3": W3, "b3": b3}


def reference(x, edge_index, W1, b1, W2, b2, W3, b3):
    # copy_src: gather node features to edges (msg = f[src])
    src = edge_index[0]
    dst = edge_index[1]
    msg = jnp.take(x, src, axis=0)                      # [E, d] gather
    # update_all with sum reducer: scatter-add edge messages into dst nodes
    sum_msg = jax.ops.segment_sum(msg, dst, num_segments=x.shape[0])  # [N, d]
    # readout apply: r = concat(f, sum_msg)
    r = jnp.concatenate([x, sum_msg], axis=1)           # [N, 2d]
    # netD MLP scoring (Linear -> LeakyReLU(0.1) -> Linear -> LeakyReLU(0.1) -> Linear)
    h = jax.nn.leaky_relu(r @ W1 + b1, negative_slope=0.1)
    h = jax.nn.leaky_relu(h @ W2 + b2, negative_slope=0.1)
    score = h @ W3 + b3                                  # [N, 1]
    return score

if __name__ == "__main__":
    import jax
    _d = setup_inputs()
    print(jax.jit(kernel)(*tuple(_d.values())))

</pallas_src>

<mosaic_0001>
#map = affine_map<(d0, d1) -> (0, 0)>
#map1 = affine_map<(d0, d1) -> (0, 0, 0)>
module attributes {stable_mosaic.version = 14 : i64} {
  func.func @_sc_segment_sum(%arg0: i32, %arg1: i32, %arg2: memref<10000x128xf32, #tpu.memory_space<hbm>>, %arg3: memref<32x80x128xi32, #tpu.memory_space<hbm>>, %arg4: memref<32x80x128xi32, #tpu.memory_space<hbm>>, %arg5: memref<10112x128xf32, #tpu.memory_space<hbm>>, %arg6: memref<2x10112x128xf32, #tpu.memory_space<hbm>>, %arg7: memref<40x128xi32, #tpu.memory_space<vmem>>, %arg8: memref<40x128xi32, #tpu.memory_space<vmem>>, %arg9: memref<128x128xf32, #tpu.memory_space<vmem>>, %arg10: memref<128x128xf32, #tpu.memory_space<vmem>>, %arg11: memref<10112x128xf32, #tpu.memory_space<vmem_shared>>, %arg12: memref<!tpu.dma_semaphore, #tpu.memory_space<semaphore_mem>>, %arg13: memref<!tpu.dma_semaphore, #tpu.memory_space<semaphore_mem>>) attributes {dimension_semantics = [#tpu.dimension_semantics<core_parallel>, #tpu.dimension_semantics<subcore_parallel>], iteration_bounds = array<i64: 2, 16>, scalar_prefetch = 0 : i64, scratch_operands = 7 : i64, tpu.core_type = #tpu.core_type<sc_vector_subcore>, window_params = [{transform_indices = #map}, {transform_indices = #map1}, {transform_indices = #map1}, {transform_indices = #map}, {transform_indices = #map1}]} {
    %mul3A = arith.constant 2 : i32
    %mul3A_0 = arith.muli %arg1, %mul3A : i32
    %add3A = arith.addi %mul3A_0, %arg0 : i32
    %mul3A_1 = arith.constant 632 : i32
    %mul3A_2 = arith.muli %arg1, %mul3A_1 : i32
    "tpu.region"() ({
      %run_scoped3A = tpu.sem_alloc : memref<!tpu.dma_semaphore, #tpu.memory_space<semaphore_mem>>
      %dma_start3A_42 = arith.constant 0 : i32
      %dma_start3A_43 = tpu.memref_slice %arg11[%mul3A_2, %dma_start3A_42] : memref<10112x128xf32, #tpu.memory_space<vmem_shared>> -> memref<632x128xf32, #tpu.memory_space<vmem_shared>>
      %dma_start3A_44 = arith.constant 0 : i32
      %dma_start3A_45 = tpu.memref_slice %arg5[%mul3A_2, %dma_start3A_44] : memref<10112x128xf32, #tpu.memory_space<hbm>> -> memref<632x128xf32, #tpu.memory_space<hbm>>
      tpu.enqueue_dma source(%dma_start3A_45 : memref<632x128xf32, #tpu.memory_space<hbm>>) target(%dma_start3A_43 : memref<632x128xf32, #tpu.memory_space<vmem_shared>>) target_semaphore(%run_scoped3A : memref<!tpu.dma_semaphore, #tpu.memory_space<semaphore_mem>>)
      %dma_wait3A = arith.constant 0 : i32
      %dma_wait3A_46 = tpu.memref_slice %arg11[%mul3A_2, %dma_wait3A] : memref<10112x128xf32, #tpu.memory_space<vmem_shared>> -> memref<632x128xf32, #tpu.memory_space<vmem_shared>>
      %dma_wait3A_47 = arith.constant 0 : i32
      %dma_wait3A_48 = tpu.memref_slice %arg5[%mul3A_2, %dma_wait3A_47] : memref<10112x128xf32, #tpu.memory_space<hbm>> -> memref<632x128xf32, #tpu.memory_space<hbm>>
      tpu.wait_dma2 semaphore(%run_scoped3A : memref<!tpu.dma_semaphore, #tpu.memory_space<semaphore_mem>>) src(%dma_wait3A_48 : memref<632x128xf32, #tpu.memory_space<hbm>>) dst(%dma_wait3A_46 : memref<632x128xf32, #tpu.memory_space<vmem_shared>>)
      tpu.yield
    }) : () -> ()
    %barrier3A = arith.constant 0 : index
    tpu.barrier barrier_id(%barrier3A)
    "tpu.region"() ({
      %run_scoped3A = tpu.sem_alloc : memref<!tpu.dma_semaphore, #tpu.memory_space<semaphore_mem>>
      %dma_start3A_42 = arith.constant 0 : i32
      %dma_start3A_43 = arith.constant 0 : i32
      %dma_start3A_44 = tpu.memref_slice %arg3[%add3A, %dma_start3A_42, %dma_start3A_43] : memref<32x80x128xi32, #tpu.memory_space<hbm>> -> memref<1x40x128xi32, #tpu.memory_space<hbm>>
      %dma_start3A_45 = tpu.memref_squeeze %dma_start3A_44 : memref<1x40x128xi32, #tpu.memory_space<hbm>> -> memref<40x128xi32, #tpu.memory_space<hbm>>
      %dma_start3A_46 = arith.constant 0 : i32
      %dma_start3A_47 = arith.constant 0 : i32
      %dma_start3A_48 = tpu.memref_slice %arg3[%add3A, %dma_start3A_46, %dma_start3A_47] : memref<32x80x128xi32, #tpu.memory_space<hbm>> -> memref<1x40x128xi32, #tpu.memory_space<hbm>>
      %dma_start3A_49 = tpu.memref_squeeze %dma_start3A_48 : memref<1x40x128xi32, #tpu.memory_space<hbm>> -> memref<40x128xi32, #tpu.memory_space<hbm>>
      tpu.enqueue_dma source(%dma_start3A_49 : memref<40x128xi32, #tpu.memory_space<hbm>>) target(%arg7 : memref<40x128xi32, #tpu.memory_space<vmem>>) target_semaphore(%run_scoped3A : memref<!tpu.dma_semaphore, #tpu.memory_space<semaphore_mem>>)
      %dma_wait3A = arith.constant 0 : i32
      %dma_wait3A_50 = arith.constant 0 : i32
      %dma_wait3A_51 = tpu.memref_slice %arg3[%add3A, %dma_wait3A, %dma_wait3A_50] : memref<32x80x128xi32, #tpu.memory_space<hbm>> -> memref<1x40x128xi32, #tpu.memory_space<hbm>>
      %dma_wait3A_52 = tpu.memref_squeeze %dma_wait3A_51 : memref<1x40x128xi32, #tpu.memory_space<hbm>> -> memref<40x128xi32, #tpu.memory_space<hbm>>
      %dma_wait3A_53 = arith.constant 0 : i32
      %dma_wait3A_54 = arith.constant 0 : i32
      %dma_wait3A_55 = tpu.memref_slice %arg3[%add3A, %dma_wait3A_53, %dma_wait3A_54] : memref<32x80x128xi32, #tpu.memory_space<hbm>> -> memref<1x40x128xi32, #tpu.memory_space<hbm>>
      %dma_wait3A_56 = tpu.memref_squeeze %dma_wait3A_55 : memref<1x40x128xi32, #tpu.memory_space<hbm>> -> memref<40x128xi32, #tpu.memory_space<hbm>>
      tpu.wait_dma2 semaphore(%run_scoped3A : memref<!tpu.dma_semaphore, #tpu.memory_space<semaphore_mem>>) src(%dma_wait3A_56 : memref<40x128xi32, #tpu.memory_space<hbm>>) dst(%arg7 : memref<40x128xi32, #tpu.memory_space<vmem>>)
      tpu.yield
    }) : () -> ()
    "tpu.region"() ({
      %run_scoped3A = tpu.sem_alloc : memref<!tpu.dma_semaphore, #tpu.memory_space<semaphore_mem>>
      %dma_start3A_42 = arith.constant 0 : i32
      %dma_start3A_43 = arith.constant 0 : i32
      %dma_start3A_44 = tpu.memref_slice %arg4[%add3A, %dma_start3A_42, %dma_start3A_43] : memref<32x80x128xi32, #tpu.memory_space<hbm>> -> memref<1x40x128xi32, #tpu.memory_space<hbm>>
      %dma_start3A_45 = tpu.memref_squeeze %dma_start3A_44 : memref<1x40x128xi32, #tpu.memory_space<hbm>> -> memref<40x128xi32, #tpu.memory_space<hbm>>
      %dma_start3A_46 = arith.constant 0 : i32
      %dma_start3A_47 = arith.constant 0 : i32
      %dma_start3A_48 = tpu.memref_slice %arg4[%add3A, %dma_start3A_46, %dma_start3A_47] : memref<32x80x128xi32, #tpu.memory_space<hbm>> -> memref<1x40x128xi32, #tpu.memory_space<hbm>>
      %dma_start3A_49 = tpu.memref_squeeze %dma_start3A_48 : memref<1x40x128xi32, #tpu.memory_space<hbm>> -> memref<40x128xi32, #tpu.memory_space<hbm>>
      tpu.enqueue_dma source(%dma_start3A_49 : memref<40x128xi32, #tpu.memory_space<hbm>>) target(%arg8 : memref<40x128xi32, #tpu.memory_space<vmem>>) target_semaphore(%run_scoped3A : memref<!tpu.dma_semaphore, #tpu.memory_space<semaphore_mem>>)
      %dma_wait3A = arith.constant 0 : i32
      %dma_wait3A_50 = arith.constant 0 : i32
      %dma_wait3A_51 = tpu.memref_slice %arg4[%add3A, %dma_wait3A, %dma_wait3A_50] : memref<32x80x128xi32, #tpu.memory_space<hbm>> -> memref<1x40x128xi32, #tpu.memory_space<hbm>>
      %dma_wait3A_52 = tpu.memref_squeeze %dma_wait3A_51 : memref<1x40x128xi32, #tpu.memory_space<hbm>> -> memref<40x128xi32, #tpu.memory_space<hbm>>
      %dma_wait3A_53 = arith.constant 0 : i32
      %dma_wait3A_54 = arith.constant 0 : i32
      %dma_wait3A_55 = tpu.memref_slice %arg4[%add3A, %dma_wait3A_53, %dma_wait3A_54] : memref<32x80x128xi32, #tpu.memory_space<hbm>> -> memref<1x40x128xi32, #tpu.memory_space<hbm>>
      %dma_wait3A_56 = tpu.memref_squeeze %dma_wait3A_55 : memref<1x40x128xi32, #tpu.memory_space<hbm>> -> memref<40x128xi32, #tpu.memory_space<hbm>>
      tpu.wait_dma2 semaphore(%run_scoped3A : memref<!tpu.dma_semaphore, #tpu.memory_space<semaphore_mem>>) src(%dma_wait3A_56 : memref<40x128xi32, #tpu.memory_space<hbm>>) dst(%arg8 : memref<40x128xi32, #tpu.memory_space<vmem>>)
      tpu.yield
    }) : () -> ()
    %dma_start3A = arith.constant 0 : i32
    %dma_start3A_3 = arith.constant 0 : i32
    %dma_start3A_4 = tpu.memref_slice %arg7[%dma_start3A, %dma_start3A_3] : memref<40x128xi32, #tpu.memory_space<vmem>> -> memref<1x128xi32, #tpu.memory_space<vmem>>
    %dma_start3A_5 = tpu.memref_squeeze %dma_start3A_4 : memref<1x128xi32, #tpu.memory_space<vmem>> -> memref<128xi32, #tpu.memory_space<vmem>>
    %dma_start3A_6 = arith.constant 0 : i32
    %dma_start3A_7 = arith.constant 0 : i32
    %dma_start3A_8 = tpu.memref_slice %arg2[%dma_start3A_6, %dma_start3A_7] : memref<10000x128xf32, #tpu.memory_space<hbm>> -> memref<10000x128xf32, #tpu.memory_space<hbm>>
    tpu.enqueue_indirect_dma source(%dma_start3A_8 : memref<10000x128xf32, #tpu.memory_space<hbm>>) target(%arg9 : memref<128x128xf32, #tpu.memory_space<vmem>>) offsets(%dma_start3A_5 : memref<128xi32, #tpu.memory_space<vmem>>) semaphore(%arg12 : memref<!tpu.dma_semaphore, #tpu.memory_space<semaphore_mem>>)
    %dma_start3A_9 = arith.constant 1 : i32
    %dma_start3A_10 = arith.constant 0 : i32
    %dma_start3A_11 = tpu.memref_slice %arg7[%dma_start3A_9, %dma_start3A_10] : memref<40x128xi32, #tpu.memory_space<vmem>> -> memref<1x128xi32, #tpu.memory_space<vmem>>
    %dma_start3A_12 = tpu.memref_squeeze %dma_start3A_11 : memref<1x128xi32, #tpu.memory_space<vmem>> -> memref<128xi32, #tpu.memory_space<vmem>>
    %dma_start3A_13 = arith.constant 0 : i32
    %dma_start3A_14 = arith.constant 0 : i32
    %dma_start3A_15 = tpu.memref_slice %arg2[%dma_start3A_13, %dma_start3A_14] : memref<10000x128xf32, #tpu.memory_space<hbm>> -> memref<10000x128xf32, #tpu.memory_space<hbm>>
    tpu.enqueue_indirect_dma source(%dma_start3A_15 : memref<10000x128xf32, #tpu.memory_space<hbm>>) target(%arg10 : memref<128x128xf32, #tpu.memory_space<vmem>>) offsets(%dma_start3A_12 : memref<128xi32, #tpu.memory_space<vmem>>) semaphore(%arg13 : memref<!tpu.dma_semaphore, #tpu.memory_space<semaphore_mem>>)
    %scan3A = arith.constant 0 : i32
    %scan3A_16 = arith.constant 0 : i32
    %scan3A_17 = arith.constant 20 : i32
    %scan3A_18 = arith.addi %scan3A_16, %scan3A_17 : i32
    %scan3A_19 = arith.constant 1 : i32
    scf.for %scan3A_42 = %scan3A_16 to %scan3A_18 step %scan3A_19  : i32 {
      %mul3A_43 = arith.constant 2 : i32
      %mul3A_44 = arith.muli %mul3A_43, %scan3A_42 : i32
      %dma_wait3A = arith.constant 0 : i32
      %dma_wait3A_45 = arith.constant 0 : i32
      %dma_wait3A_46 = tpu.memref_slice %arg7[%dma_wait3A, %dma_wait3A_45] : memref<40x128xi32, #tpu.memory_space<vmem>> -> memref<1x128xi32, #tpu.memory_space<vmem>>
      %dma_wait3A_47 = tpu.memref_squeeze %dma_wait3A_46 : memref<1x128xi32, #tpu.memory_space<vmem>> -> memref<128xi32, #tpu.memory_space<vmem>>
      %dma_wait3A_48 = arith.constant 0 : i32
      %dma_wait3A_49 = arith.constant 0 : i32
      %dma_wait3A_50 = tpu.memref_slice %arg2[%dma_wait3A_48, %dma_wait3A_49] : memref<10000x128xf32, #tpu.memory_space<hbm>> -> memref<10000x128xf32, #tpu.memory_space<hbm>>
      tpu.wait_indirect_dma semaphore(%arg12 : memref<!tpu.dma_semaphore, #tpu.memory_space<semaphore_mem>>) src(%dma_wait3A_50 : memref<10000x128xf32, #tpu.memory_space<hbm>>) dst(%arg9 : memref<128x128xf32, #tpu.memory_space<vmem>>)
      "tpu.region"() ({
        %run_scoped3A = tpu.sem_alloc : memref<!tpu.dma_semaphore, #tpu.memory_space<semaphore_mem>>
        %dma_start3A_67 = arith.constant 0 : i32
        %dma_start3A_68 = tpu.memref_slice %arg8[%mul3A_44, %dma_start3A_67] : memref<40x128xi32, #tpu.memory_space<vmem>> -> memref<1x128xi32, #tpu.memory_space<vmem>>
        %dma_start3A_69 = tpu.memref_squeeze %dma_start3A_68 : memref<1x128xi32, #tpu.memory_space<vmem>> -> memref<128xi32, #tpu.memory_space<vmem>>
        %dma_start3A_70 = arith.constant 0 : i32
        %dma_start3A_71 = arith.constant 0 : i32
        %dma_start3A_72 = tpu.memref_slice %arg11[%dma_start3A_70, %dma_start3A_71] : memref<10112x128xf32, #tpu.memory_space<vmem_shared>> -> memref<10112x128xf32, #tpu.memory_space<vmem_shared>>
        tpu.enqueue_indirect_dma source(%arg9 : memref<128x128xf32, #tpu.memory_space<vmem>>) target(%dma_start3A_72 : memref<10112x128xf32, #tpu.memory_space<vmem_shared>>) offsets(%dma_start3A_69 : memref<128xi32, #tpu.memory_space<vmem>>) semaphore(%run_scoped3A : memref<!tpu.dma_semaphore, #tpu.memory_space<semaphore_mem>>) {add = true}
        %dma_wait3A_73 = arith.constant 0 : i32
        %dma_wait3A_74 = tpu.memref_slice %arg8[%mul3A_44, %dma_wait3A_73] : memref<40x128xi32, #tpu.memory_space<vmem>> -> memref<1x128xi32, #tpu.memory_space<vmem>>
        %dma_wait3A_75 = tpu.memref_squeeze %dma_wait3A_74 : memref<1x128xi32, #tpu.memory_space<vmem>> -> memref<128xi32, #tpu.memory_space<vmem>>
        %dma_wait3A_76 = arith.constant 0 : i32
        %dma_wait3A_77 = arith.constant 0 : i32
        %dma_wait3A_78 = tpu.memref_slice %arg11[%dma_wait3A_76, %dma_wait3A_77] : memref<10112x128xf32, #tpu.memory_space<vmem_shared>> -> memref<10112x128xf32, #tpu.memory_space<vmem_shared>>
        tpu.wait_indirect_dma semaphore(%run_scoped3A : memref<!tpu.dma_semaphore, #tpu.memory_space<semaphore_mem>>) src(%arg9 : memref<128x128xf32, #tpu.memory_space<vmem>>) dst(%dma_wait3A_78 : memref<10112x128xf32, #tpu.memory_space<vmem_shared>>)
        tpu.yield
      }) : () -> ()
      %lt3A = arith.constant 19 : i32
      %lt3A_51 = arith.cmpi slt, %scan3A_42, %lt3A : i32
      %convert_element_type3A = arith.extui %lt3A_51 : i1 to i32
      %cond3A = arith.constant 0 : i32
      %cond3A_52 = arith.cmpi ne, %convert_element_type3A, %cond3A : i32
      scf.if %cond3A_52 {
        %add3A_67 = arith.constant 2 : i32
        %add3A_68 = arith.addi %mul3A_44, %add3A_67 : i32
        %dma_start3A_69 = arith.constant 0 : i32
        %dma_start3A_70 = tpu.memref_slice %arg7[%add3A_68, %dma_start3A_69] : memref<40x128xi32, #tpu.memory_space<vmem>> -> memref<1x128xi32, #tpu.memory_space<vmem>>
        %dma_start3A_71 = tpu.memref_squeeze %dma_start3A_70 : memref<1x128xi32, #tpu.memory_space<vmem>> -> memref<128xi32, #tpu.memory_space<vmem>>
        %dma_start3A_72 = arith.constant 0 : i32
        %dma_start3A_73 = arith.constant 0 : i32
        %dma_start3A_74 = tpu.memref_slice %arg2[%dma_start3A_72, %dma_start3A_73] : memref<10000x128xf32, #tpu.memory_space<hbm>> -> memref<10000x128xf32, #tpu.memory_space<hbm>>
        tpu.enqueue_indirect_dma source(%dma_start3A_74 : memref<10000x128xf32, #tpu.memory_space<hbm>>) target(%arg9 : memref<128x128xf32, #tpu.memory_space<vmem>>) offsets(%dma_start3A_71 : memref<128xi32, #tpu.memory_space<vmem>>) semaphore(%arg12 : memref<!tpu.dma_semaphore, #tpu.memory_space<semaphore_mem>>)
      } else {
      }
      %dma_wait3A_53 = arith.constant 1 : i32
      %dma_wait3A_54 = arith.constant 0 : i32
      %dma_wait3A_55 = tpu.memref_slice %arg7[%dma_wait3A_53, %dma_wait3A_54] : memref<40x128xi32, #tpu.memory_space<vmem>> -> memref<1x128xi32, #tpu.memory_space<vmem>>
      %dma_wait3A_56 = tpu.memref_squeeze %dma_wait3A_55 : memref<1x128xi32, #tpu.memory_space<vmem>> -> memref<128xi32, #tpu.memory_space<vmem>>
      %dma_wait3A_57 = arith.constant 0 : i32
      %dma_wait3A_58 = arith.constant 0 : i32
      %dma_wait3A_59 = tpu.memref_slice %arg2[%dma_wait3A_57, %dma_wait3A_58] : memref<10000x128xf32, #tpu.memory_space<hbm>> -> memref<10000x128xf32, #tpu.memory_space<hbm>>
      tpu.wait_indirect_dma semaphore(%arg13 : memref<!tpu.dma_semaphore, #tpu.memory_space<semaphore_mem>>) src(%dma_wait3A_59 : memref<10000x128xf32, #tpu.memory_space<hbm>>) dst(%arg10 : memref<128x128xf32, #tpu.memory_space<vmem>>)
      %add3A_60 = arith.constant 1 : i32
      %add3A_61 = arith.addi %mul3A_44, %add3A_60 : i32
      "tpu.region"() ({
        %run_scoped3A = tpu.sem_alloc : memref<!tpu.dma_semaphore, #tpu.memory_space<semaphore_mem>>
        %dma_start3A_67 = arith.constant 0 : i32
        %dma_start3A_68 = tpu.memref_slice %arg8[%add3A_61, %dma_start3A_67] : memref<40x128xi32, #tpu.memory_space<vmem>> -> memref<1x128xi32, #tpu.memory_space<vmem>>
        %dma_start3A_69 = tpu.memref_squeeze %dma_start3A_68 : memref<1x128xi32, #tpu.memory_space<vmem>> -> memref<128xi32, #tpu.memory_space<vmem>>
        %dma_start3A_70 = arith.constant 0 : i32
        %dma_start3A_71 = arith.constant 0 : i32
        %dma_start3A_72 = tpu.memref_slice %arg11[%dma_start3A_70, %dma_start3A_71] : memref<10112x128xf32, #tpu.memory_space<vmem_shared>> -> memref<10112x128xf32, #tpu.memory_space<vmem_shared>>
        tpu.enqueue_indirect_dma source(%arg10 : memref<128x128xf32, #tpu.memory_space<vmem>>) target(%dma_start3A_72 : memref<10112x128xf32, #tpu.memory_space<vmem_shared>>) offsets(%dma_start3A_69 : memref<128xi32, #tpu.memory_space<vmem>>) semaphore(%run_scoped3A : memref<!tpu.dma_semaphore, #tpu.memory_space<semaphore_mem>>) {add = true}
        %dma_wait3A_73 = arith.constant 0 : i32
        %dma_wait3A_74 = tpu.memref_slice %arg8[%add3A_61, %dma_wait3A_73] : memref<40x128xi32, #tpu.memory_space<vmem>> -> memref<1x128xi32, #tpu.memory_space<vmem>>
        %dma_wait3A_75 = tpu.memref_squeeze %dma_wait3A_74 : memref<1x128xi32, #tpu.memory_space<vmem>> -> memref<128xi32, #tpu.memory_space<vmem>>
        %dma_wait3A_76 = arith.constant 0 : i32
        %dma_wait3A_77 = arith.constant 0 : i32
        %dma_wait3A_78 = tpu.memref_slice %arg11[%dma_wait3A_76, %dma_wait3A_77] : memref<10112x128xf32, #tpu.memory_space<vmem_shared>> -> memref<10112x128xf32, #tpu.memory_space<vmem_shared>>
        tpu.wait_indirect_dma semaphore(%run_scoped3A : memref<!tpu.dma_semaphore, #tpu.memory_space<semaphore_mem>>) src(%arg10 : memref<128x128xf32, #tpu.memory_space<vmem>>) dst(%dma_wait3A_78 : memref<10112x128xf32, #tpu.memory_space<vmem_shared>>)
        tpu.yield
      }) : () -> ()
      %lt3A_62 = arith.constant 19 : i32
      %lt3A_63 = arith.cmpi slt, %scan3A_42, %lt3A_62 : i32
      %convert_element_type3A_64 = arith.extui %lt3A_63 : i1 to i32
      %cond3A_65 = arith.constant 0 : i32
      %cond3A_66 = arith.cmpi ne, %convert_element_type3A_64, %cond3A_65 : i32
      scf.if %cond3A_66 {
        %add3A_67 = arith.constant 3 : i32
        %add3A_68 = arith.addi %mul3A_44, %add3A_67 : i32
        %dma_start3A_69 = arith.constant 0 : i32
        %dma_start3A_70 = tpu.memref_slice %arg7[%add3A_68, %dma_start3A_69] : memref<40x128xi32, #tpu.memory_space<vmem>> -> memref<1x128xi32, #tpu.memory_space<vmem>>
        %dma_start3A_71 = tpu.memref_squeeze %dma_start3A_70 : memref<1x128xi32, #tpu.memory_space<vmem>> -> memref<128xi32, #tpu.memory_space<vmem>>
        %dma_start3A_72 = arith.constant 0 : i32
        %dma_start3A_73 = arith.constant 0 : i32
        %dma_start3A_74 = tpu.memref_slice %arg2[%dma_start3A_72, %dma_start3A_73] : memref<10000x128xf32, #tpu.memory_space<hbm>> -> memref<10000x128xf32, #tpu.memory_space<hbm>>
        tpu.enqueue_indirect_dma source(%dma_start3A_74 : memref<10000x128xf32, #tpu.memory_space<hbm>>) target(%arg10 : memref<128x128xf32, #tpu.memory_space<vmem>>) offsets(%dma_start3A_71 : memref<128xi32, #tpu.memory_space<vmem>>) semaphore(%arg13 : memref<!tpu.dma_semaphore, #tpu.memory_space<semaphore_mem>>)
      } else {
      }
    }
    %scan3A_20 = arith.constant 20 : i32
    "tpu.region"() ({
      %run_scoped3A = tpu.sem_alloc : memref<!tpu.dma_semaphore, #tpu.memory_space<semaphore_mem>>
      %dma_start3A_42 = arith.constant 40 : i32
      %dma_start3A_43 = arith.constant 0 : i32
      %dma_start3A_44 = tpu.memref_slice %arg3[%add3A, %dma_start3A_42, %dma_start3A_43] : memref<32x80x128xi32, #tpu.memory_space<hbm>> -> memref<1x40x128xi32, #tpu.memory_space<hbm>>
      %dma_start3A_45 = tpu.memref_squeeze %dma_start3A_44 : memref<1x40x128xi32, #tpu.memory_space<hbm>> -> memref<40x128xi32, #tpu.memory_space<hbm>>
      %dma_start3A_46 = arith.constant 40 : i32
      %dma_start3A_47 = arith.constant 0 : i32
      %dma_start3A_48 = tpu.memref_slice %arg3[%add3A, %dma_start3A_46, %dma_start3A_47] : memref<32x80x128xi32, #tpu.memory_space<hbm>> -> memref<1x40x128xi32, #tpu.memory_space<hbm>>
      %dma_start3A_49 = tpu.memref_squeeze %dma_start3A_48 : memref<1x40x128xi32, #tpu.memory_space<hbm>> -> memref<40x128xi32, #tpu.memory_space<hbm>>
      tpu.enqueue_dma source(%dma_start3A_49 : memref<40x128xi32, #tpu.memory_space<hbm>>) target(%arg7 : memref<40x128xi32, #tpu.memory_space<vmem>>) target_semaphore(%run_scoped3A : memref<!tpu.dma_semaphore, #tpu.memory_space<semaphore_mem>>)
      %dma_wait3A = arith.constant 40 : i32
      %dma_wait3A_50 = arith.constant 0 : i32
      %dma_wait3A_51 = tpu.memref_slice %arg3[%add3A, %dma_wait3A, %dma_wait3A_50] : memref<32x80x128xi32, #tpu.memory_space<hbm>> -> memref<1x40x128xi32, #tpu.memory_space<hbm>>
      %dma_wait3A_52 = tpu.memref_squeeze %dma_wait3A_51 : memref<1x40x128xi32, #tpu.memory_space<hbm>> -> memref<40x128xi32, #tpu.memory_space<hbm>>
      %dma_wait3A_53 = arith.constant 40 : i32
      %dma_wait3A_54 = arith.constant 0 : i32
      %dma_wait3A_55 = tpu.memref_slice %arg3[%add3A, %dma_wait3A_53, %dma_wait3A_54] : memref<32x80x128xi32, #tpu.memory_space<hbm>> -> memref<1x40x128xi32, #tpu.memory_space<hbm>>
      %dma_wait3A_56 = tpu.memref_squeeze %dma_wait3A_55 : memref<1x40x128xi32, #tpu.memory_space<hbm>> -> memref<40x128xi32, #tpu.memory_space<hbm>>
      tpu.wait_dma2 semaphore(%run_scoped3A : memref<!tpu.dma_semaphore, #tpu.memory_space<semaphore_mem>>) src(%dma_wait3A_56 : memref<40x128xi32, #tpu.memory_space<hbm>>) dst(%arg7 : memref<40x128xi32, #tpu.memory_space<vmem>>)
      tpu.yield
    }) : () -> ()
    "tpu.region"() ({
      %run_scoped3A = tpu.sem_alloc : memref<!tpu.dma_semaphore, #tpu.memory_space<semaphore_mem>>
      %dma_start3A_42 = arith.constant 40 : i32
      %dma_start3A_43 = arith.constant 0 : i32
      %dma_start3A_44 = tpu.memref_slice %arg4[%add3A, %dma_start3A_42, %dma_start3A_43] : memref<32x80x128xi32, #tpu.memory_space<hbm>> -> memref<1x40x128xi32, #tpu.memory_space<hbm>>
      %dma_start3A_45 = tpu.memref_squeeze %dma_start3A_44 : memref<1x40x128xi32, #tpu.memory_space<hbm>> -> memref<40x128xi32, #tpu.memory_space<hbm>>
      %dma_start3A_46 = arith.constant 40 : i32
      %dma_start3A_47 = arith.constant 0 : i32
      %dma_start3A_48 = tpu.memref_slice %arg4[%add3A, %dma_start3A_46, %dma_start3A_47] : memref<32x80x128xi32, #tpu.memory_space<hbm>> -> memref<1x40x128xi32, #tpu.memory_space<hbm>>
      %dma_start3A_49 = tpu.memref_squeeze %dma_start3A_48 : memref<1x40x128xi32, #tpu.memory_space<hbm>> -> memref<40x128xi32, #tpu.memory_space<hbm>>
      tpu.enqueue_dma source(%dma_start3A_49 : memref<40x128xi32, #tpu.memory_space<hbm>>) target(%arg8 : memref<40x128xi32, #tpu.memory_space<vmem>>) target_semaphore(%run_scoped3A : memref<!tpu.dma_semaphore, #tpu.memory_space<semaphore_mem>>)
      %dma_wait3A = arith.constant 40 : i32
      %dma_wait3A_50 = arith.constant 0 : i32
      %dma_wait3A_51 = tpu.memref_slice %arg4[%add3A, %dma_wait3A, %dma_wait3A_50] : memref<32x80x128xi32, #tpu.memory_space<hbm>> -> memref<1x40x128xi32, #tpu.memory_space<hbm>>
      %dma_wait3A_52 = tpu.memref_squeeze %dma_wait3A_51 : memref<1x40x128xi32, #tpu.memory_space<hbm>> -> memref<40x128xi32, #tpu.memory_space<hbm>>
      %dma_wait3A_53 = arith.constant 40 : i32
      %dma_wait3A_54 = arith.constant 0 : i32
      %dma_wait3A_55 = tpu.memref_slice %arg4[%add3A, %dma_wait3A_53, %dma_wait3A_54] : memref<32x80x128xi32, #tpu.memory_space<hbm>> -> memref<1x40x128xi32, #tpu.memory_space<hbm>>
      %dma_wait3A_56 = tpu.memref_squeeze %dma_wait3A_55 : memref<1x40x128xi32, #tpu.memory_space<hbm>> -> memref<40x128xi32, #tpu.memory_space<hbm>>
      tpu.wait_dma2 semaphore(%run_scoped3A : memref<!tpu.dma_semaphore, #tpu.memory_space<semaphore_mem>>) src(%dma_wait3A_56 : memref<40x128xi32, #tpu.memory_space<hbm>>) dst(%arg8 : memref<40x128xi32, #tpu.memory_space<vmem>>)
      tpu.yield
    }) : () -> ()
    %dma_start3A_21 = arith.constant 0 : i32
    %dma_start3A_22 = arith.constant 0 : i32
    %dma_start3A_23 = tpu.memref_slice %arg7[%dma_start3A_21, %dma_start3A_22] : memref<40x128xi32, #tpu.memory_space<vmem>> -> memref<1x128xi32, #tpu.memory_space<vmem>>
    %dma_start3A_24 = tpu.memref_squeeze %dma_start3A_23 : memref<1x128xi32, #tpu.memory_space<vmem>> -> memref<128xi32, #tpu.memory_space<vmem>>
    %dma_start3A_25 = arith.constant 0 : i32
    %dma_start3A_26 = arith.constant 0 : i32
    %dma_start3A_27 = tpu.memref_slice %arg2[%dma_start3A_25, %dma_start3A_26] : memref<10000x128xf32, #tpu.memory_space<hbm>> -> memref<10000x128xf32, #tpu.memory_space<hbm>>
    tpu.enqueue_indirect_dma source(%dma_start3A_27 : memref<10000x128xf32, #tpu.memory_space<hbm>>) target(%arg9 : memref<128x128xf32, #tpu.memory_space<vmem>>) offsets(%dma_start3A_24 : memref<128xi32, #tpu.memory_space<vmem>>) semaphore(%arg12 : memref<!tpu.dma_semaphore, #tpu.memory_space<semaphore_mem>>)
    %dma_start3A_28 = arith.constant 1 : i32
    %dma_start3A_29 = arith.constant 0 : i32
    %dma_start3A_30 = tpu.memref_slice %arg7[%dma_start3A_28, %dma_start3A_29] : memref<40x128xi32, #tpu.memory_space<vmem>> -> memref<1x128xi32, #tpu.memory_space<vmem>>
    %dma_start3A_31 = tpu.memref_squeeze %dma_start3A_30 : memref<1x128xi32, #tpu.memory_space<vmem>> -> memref<128xi32, #tpu.memory_space<vmem>>
    %dma_start3A_32 = arith.constant 0 : i32
    %dma_start3A_33 = arith.constant 0 : i32
    %dma_start3A_34 = tpu.memref_slice %arg2[%dma_start3A_32, %dma_start3A_33] : memref<10000x128xf32, #tpu.memory_space<hbm>> -> memref<10000x128xf32, #tpu.memory_space<hbm>>
    tpu.enqueue_indirect_dma source(%dma_start3A_34 : memref<10000x128xf32, #tpu.memory_space<hbm>>) target(%arg10 : memref<128x128xf32, #tpu.memory_space<vmem>>) offsets(%dma_start3A_31 : memref<128xi32, #tpu.memory_space<vmem>>) semaphore(%arg13 : memref<!tpu.dma_semaphore, #tpu.memory_space<semaphore_mem>>)
    %scan3A_35 = arith.constant 0 : i32
    %scan3A_36 = arith.constant 0 : i32
    %scan3A_37 = arith.constant 20 : i32
    %scan3A_38 = arith.addi %scan3A_36, %scan3A_37 : i32
    %scan3A_39 = arith.constant 1 : i32
    scf.for %scan3A_42 = %scan3A_36 to %scan3A_38 step %scan3A_39  : i32 {
      %mul3A_43 = arith.constant 2 : i32
      %mul3A_44 = arith.muli %mul3A_43, %scan3A_42 : i32
      %dma_wait3A = arith.constant 0 : i32
      %dma_wait3A_45 = arith.constant 0 : i32
      %dma_wait3A_46 = tpu.memref_slice %arg7[%dma_wait3A, %dma_wait3A_45] : memref<40x128xi32, #tpu.memory_space<vmem>> -> memref<1x128xi32, #tpu.memory_space<vmem>>
      %dma_wait3A_47 = tpu.memref_squeeze %dma_wait3A_46 : memref<1x128xi32, #tpu.memory_space<vmem>> -> memref<128xi32, #tpu.memory_space<vmem>>
      %dma_wait3A_48 = arith.constant 0 : i32
      %dma_wait3A_49 = arith.constant 0 : i32
      %dma_wait3A_50 = tpu.memref_slice %arg2[%dma_wait3A_48, %dma_wait3A_49] : memref<10000x128xf32, #tpu.memory_space<hbm>> -> memref<10000x128xf32, #tpu.memory_space<hbm>>
      tpu.wait_indirect_dma semaphore(%arg12 : memref<!tpu.dma_semaphore, #tpu.memory_space<semaphore_mem>>) src(%dma_wait3A_50 : memref<10000x128xf32, #tpu.memory_space<hbm>>) dst(%arg9 : memref<128x128xf32, #tpu.memory_space<vmem>>)
      "tpu.region"() ({
        %run_scoped3A = tpu.sem_alloc : memref<!tpu.dma_semaphore, #tpu.memory_space<semaphore_mem>>
        %dma_start3A_67 = arith.constant 0 : i32
        %dma_start3A_68 = tpu.memref_slice %arg8[%mul3A_44, %dma_start3A_67] : memref<40x128xi32, #tpu.memory_space<vmem>> -> memref<1x128xi32, #tpu.memory_space<vmem>>
        %dma_start3A_69 = tpu.memref_squeeze %dma_start3A_68 : memref<1x128xi32, #tpu.memory_space<vmem>> -> memref<128xi32, #tpu.memory_space<vmem>>
        %dma_start3A_70 = arith.constant 0 : i32
        %dma_start3A_71 = arith.constant 0 : i32
        %dma_start3A_72 = tpu.memref_slice %arg11[%dma_start3A_70, %dma_start3A_71] : memref<10112x128xf32, #tpu.memory_space<vmem_shared>> -> memref<10112x128xf32, #tpu.memory_space<vmem_shared>>
        tpu.enqueue_indirect_dma source(%arg9 : memref<128x128xf32, #tpu.memory_space<vmem>>) target(%dma_start3A_72 : memref<10112x128xf32, #tpu.memory_space<vmem_shared>>) offsets(%dma_start3A_69 : memref<128xi32, #tpu.memory_space<vmem>>) semaphore(%run_scoped3A : memref<!tpu.dma_semaphore, #tpu.memory_space<semaphore_mem>>) {add = true}
        %dma_wait3A_73 = arith.constant 0 : i32
        %dma_wait3A_74 = tpu.memref_slice %arg8[%mul3A_44, %dma_wait3A_73] : memref<40x128xi32, #tpu.memory_space<vmem>> -> memref<1x128xi32, #tpu.memory_space<vmem>>
        %dma_wait3A_75 = tpu.memref_squeeze %dma_wait3A_74 : memref<1x128xi32, #tpu.memory_space<vmem>> -> memref<128xi32, #tpu.memory_space<vmem>>
        %dma_wait3A_76 = arith.constant 0 : i32
        %dma_wait3A_77 = arith.constant 0 : i32
        %dma_wait3A_78 = tpu.memref_slice %arg11[%dma_wait3A_76, %dma_wait3A_77] : memref<10112x128xf32, #tpu.memory_space<vmem_shared>> -> memref<10112x128xf32, #tpu.memory_space<vmem_shared>>
        tpu.wait_indirect_dma semaphore(%run_scoped3A : memref<!tpu.dma_semaphore, #tpu.memory_space<semaphore_mem>>) src(%arg9 : memref<128x128xf32, #tpu.memory_space<vmem>>) dst(%dma_wait3A_78 : memref<10112x128xf32, #tpu.memory_space<vmem_shared>>)
        tpu.yield
      }) : () -> ()
      %lt3A = arith.constant 19 : i32
      %lt3A_51 = arith.cmpi slt, %scan3A_42, %lt3A : i32
      %convert_element_type3A = arith.extui %lt3A_51 : i1 to i32
      %cond3A = arith.constant 0 : i32
      %cond3A_52 = arith.cmpi ne, %convert_element_type3A, %cond3A : i32
      scf.if %cond3A_52 {
        %add3A_67 = arith.constant 2 : i32
        %add3A_68 = arith.addi %mul3A_44, %add3A_67 : i32
        %dma_start3A_69 = arith.constant 0 : i32
        %dma_start3A_70 = tpu.memref_slice %arg7[%add3A_68, %dma_start3A_69] : memref<40x128xi32, #tpu.memory_space<vmem>> -> memref<1x128xi32, #tpu.memory_space<vmem>>
        %dma_start3A_71 = tpu.memref_squeeze %dma_start3A_70 : memref<1x128xi32, #tpu.memory_space<vmem>> -> memref<128xi32, #tpu.memory_space<vmem>>
        %dma_start3A_72 = arith.constant 0 : i32
        %dma_start3A_73 = arith.constant 0 : i32
        %dma_start3A_74 = tpu.memref_slice %arg2[%dma_start3A_72, %dma_start3A_73] : memref<10000x128xf32, #tpu.memory_space<hbm>> -> memref<10000x128xf32, #tpu.memory_space<hbm>>
        tpu.enqueue_indirect_dma source(%dma_start3A_74 : memref<10000x128xf32, #tpu.memory_space<hbm>>) target(%arg9 : memref<128x128xf32, #tpu.memory_space<vmem>>) offsets(%dma_start3A_71 : memref<128xi32, #tpu.memory_space<vmem>>) semaphore(%arg12 : memref<!tpu.dma_semaphore, #tpu.memory_space<semaphore_mem>>)
      } else {
      }
      %dma_wait3A_53 = arith.constant 1 : i32
      %dma_wait3A_54 = arith.constant 0 : i32
      %dma_wait3A_55 = tpu.memref_slice %arg7[%dma_wait3A_53, %dma_wait3A_54] : memref<40x128xi32, #tpu.memory_space<vmem>> -> memref<1x128xi32, #tpu.memory_space<vmem>>
      %dma_wait3A_56 = tpu.memref_squeeze %dma_wait3A_55 : memref<1x128xi32, #tpu.memory_space<vmem>> -> memref<128xi32, #tpu.memory_space<vmem>>
      %dma_wait3A_57 = arith.constant 0 : i32
      %dma_wait3A_58 = arith.constant 0 : i32
      %dma_wait3A_59 = tpu.memref_slice %arg2[%dma_wait3A_57, %dma_wait3A_58] : memref<10000x128xf32, #tpu.memory_space<hbm>> -> memref<10000x128xf32, #tpu.memory_space<hbm>>
      tpu.wait_indirect_dma semaphore(%arg13 : memref<!tpu.dma_semaphore, #tpu.memory_space<semaphore_mem>>) src(%dma_wait3A_59 : memref<10000x128xf32, #tpu.memory_space<hbm>>) dst(%arg10 : memref<128x128xf32, #tpu.memory_space<vmem>>)
      %add3A_60 = arith.constant 1 : i32
      %add3A_61 = arith.addi %mul3A_44, %add3A_60 : i32
      "tpu.region"() ({
        %run_scoped3A = tpu.sem_alloc : memref<!tpu.dma_semaphore, #tpu.memory_space<semaphore_mem>>
        %dma_start3A_67 = arith.constant 0 : i32
        %dma_start3A_68 = tpu.memref_slice %arg8[%add3A_61, %dma_start3A_67] : memref<40x128xi32, #tpu.memory_space<vmem>> -> memref<1x128xi32, #tpu.memory_space<vmem>>
        %dma_start3A_69 = tpu.memref_squeeze %dma_start3A_68 : memref<1x128xi32, #tpu.memory_space<vmem>> -> memref<128xi32, #tpu.memory_space<vmem>>
        %dma_start3A_70 = arith.constant 0 : i32
        %dma_start3A_71 = arith.constant 0 : i32
        %dma_start3A_72 = tpu.memref_slice %arg11[%dma_start3A_70, %dma_start3A_71] : memref<10112x128xf32, #tpu.memory_space<vmem_shared>> -> memref<10112x128xf32, #tpu.memory_space<vmem_shared>>
        tpu.enqueue_indirect_dma source(%arg10 : memref<128x128xf32, #tpu.memory_space<vmem>>) target(%dma_start3A_72 : memref<10112x128xf32, #tpu.memory_space<vmem_shared>>) offsets(%dma_start3A_69 : memref<128xi32, #tpu.memory_space<vmem>>) semaphore(%run_scoped3A : memref<!tpu.dma_semaphore, #tpu.memory_space<semaphore_mem>>) {add = true}
        %dma_wait3A_73 = arith.constant 0 : i32
        %dma_wait3A_74 = tpu.memref_slice %arg8[%add3A_61, %dma_wait3A_73] : memref<40x128xi32, #tpu.memory_space<vmem>> -> memref<1x128xi32, #tpu.memory_space<vmem>>
        %dma_wait3A_75 = tpu.memref_squeeze %dma_wait3A_74 : memref<1x128xi32, #tpu.memory_space<vmem>> -> memref<128xi32, #tpu.memory_space<vmem>>
        %dma_wait3A_76 = arith.constant 0 : i32
        %dma_wait3A_77 = arith.constant 0 : i32
        %dma_wait3A_78 = tpu.memref_slice %arg11[%dma_wait3A_76, %dma_wait3A_77] : memref<10112x128xf32, #tpu.memory_space<vmem_shared>> -> memref<10112x128xf32, #tpu.memory_space<vmem_shared>>
        tpu.wait_indirect_dma semaphore(%run_scoped3A : memref<!tpu.dma_semaphore, #tpu.memory_space<semaphore_mem>>) src(%arg10 : memref<128x128xf32, #tpu.memory_space<vmem>>) dst(%dma_wait3A_78 : memref<10112x128xf32, #tpu.memory_space<vmem_shared>>)
        tpu.yield
      }) : () -> ()
      %lt3A_62 = arith.constant 19 : i32
      %lt3A_63 = arith.cmpi slt, %scan3A_42, %lt3A_62 : i32
      %convert_element_type3A_64 = arith.extui %lt3A_63 : i1 to i32
      %cond3A_65 = arith.constant 0 : i32
      %cond3A_66 = arith.cmpi ne, %convert_element_type3A_64, %cond3A_65 : i32
      scf.if %cond3A_66 {
        %add3A_67 = arith.constant 3 : i32
        %add3A_68 = arith.addi %mul3A_44, %add3A_67 : i32
        %dma_start3A_69 = arith.constant 0 : i32
        %dma_start3A_70 = tpu.memref_slice %arg7[%add3A_68, %dma_start3A_69] : memref<40x128xi32, #tpu.memory_space<vmem>> -> memref<1x128xi32, #tpu.memory_space<vmem>>
        %dma_start3A_71 = tpu.memref_squeeze %dma_start3A_70 : memref<1x128xi32, #tpu.memory_space<vmem>> -> memref<128xi32, #tpu.memory_space<vmem>>
        %dma_start3A_72 = arith.constant 0 : i32
        %dma_start3A_73 = arith.constant 0 : i32
        %dma_start3A_74 = tpu.memref_slice %arg2[%dma_start3A_72, %dma_start3A_73] : memref<10000x128xf32, #tpu.memory_space<hbm>> -> memref<10000x128xf32, #tpu.memory_space<hbm>>
        tpu.enqueue_indirect_dma source(%dma_start3A_74 : memref<10000x128xf32, #tpu.memory_space<hbm>>) target(%arg10 : memref<128x128xf32, #tpu.memory_space<vmem>>) offsets(%dma_start3A_71 : memref<128xi32, #tpu.memory_space<vmem>>) semaphore(%arg13 : memref<!tpu.dma_semaphore, #tpu.memory_space<semaphore_mem>>)
      } else {
      }
    }
    %scan3A_40 = arith.constant 20 : i32
    %barrier3A_41 = arith.constant 0 : index
    tpu.barrier barrier_id(%barrier3A_41)
    "tpu.region"() ({
      %run_scoped3A = tpu.sem_alloc : memref<!tpu.dma_semaphore, #tpu.memory_space<semaphore_mem>>
      %dma_start3A_42 = arith.constant 0 : i32
      %dma_start3A_43 = tpu.memref_slice %arg6[%arg0, %mul3A_2, %dma_start3A_42] : memref<2x10112x128xf32, #tpu.memory_space<hbm>> -> memref<1x632x128xf32, #tpu.memory_space<hbm>>
      %dma_start3A_44 = tpu.memref_squeeze %dma_start3A_43 : memref<1x632x128xf32, #tpu.memory_space<hbm>> -> memref<632x128xf32, #tpu.memory_space<hbm>>
      %dma_start3A_45 = arith.constant 0 : i32
      %dma_start3A_46 = tpu.memref_slice %arg11[%mul3A_2, %dma_start3A_45] : memref<10112x128xf32, #tpu.memory_space<vmem_shared>> -> memref<632x128xf32, #tpu.memory_space<vmem_shared>>
      tpu.enqueue_dma source(%dma_start3A_46 : memref<632x128xf32, #tpu.memory_space<vmem_shared>>) target(%dma_start3A_44 : memref<632x128xf32, #tpu.memory_space<hbm>>) target_semaphore(%run_scoped3A : memref<!tpu.dma_semaphore, #tpu.memory_space<semaphore_mem>>)
      %dma_wait3A = arith.constant 0 : i32
      %dma_wait3A_47 = tpu.memref_slice %arg6[%arg0, %mul3A_2, %dma_wait3A] : memref<2x10112x128xf32, #tpu.memory_space<hbm>> -> memref<1x632x128xf32, #tpu.memory_space<hbm>>
      %dma_wait3A_48 = tpu.memref_squeeze %dma_wait3A_47 : memref<1x632x128xf32, #tpu.memory_space<hbm>> -> memref<632x128xf32, #tpu.memory_space<hbm>>
      %dma_wait3A_49 = arith.constant 0 : i32
      %dma_wait3A_50 = tpu.memref_slice %arg11[%mul3A_2, %dma_wait3A_49] : memref<10112x128xf32, #tpu.memory_space<vmem_shared>> -> memref<632x128xf32, #tpu.memory_space<vmem_shared>>
      tpu.wait_dma2 semaphore(%run_scoped3A : memref<!tpu.dma_semaphore, #tpu.memory_space<semaphore_mem>>) src(%dma_wait3A_50 : memref<632x128xf32, #tpu.memory_space<vmem_shared>>) dst(%dma_wait3A_48 : memref<632x128xf32, #tpu.memory_space<hbm>>)
      tpu.yield
    }) : () -> ()
    return
  }
}

module attributes {stable_mosaic.version = 14 : i64} {
  func.func @_mlp_body(%arg0: i32, %arg1: memref<2000x128xf32, #tpu.memory_space<vmem>>, %arg2: memref<2x2000x128xf32, #tpu.memory_space<vmem>>, %arg3: memref<128x512xf32, #tpu.memory_space<vmem>>, %arg4: memref<128x512xf32, #tpu.memory_space<vmem>>, %arg5: memref<1x512xf32, #tpu.memory_space<vmem>>, %arg6: memref<512x512xf32, #tpu.memory_space<vmem>>, %arg7: memref<1x512xf32, #tpu.memory_space<vmem>>, %arg8: memref<512x1xf32, #tpu.memory_space<vmem>>, %arg9: memref<1x1xf32, #tpu.memory_space<vmem>>, %arg10: memref<2000x1xf32, #tpu.memory_space<vmem>>) attributes {dimension_semantics = [#tpu.dimension_semantics<arbitrary>], iteration_bounds = array<i64: 5>, scalar_prefetch = 0 : i64, scratch_operands = 0 : i64, tpu.core_type = #tpu.core_type<tc>, window_params = [{transform_indices = @transform_0, window_bounds = array<i64: 2000, 128>}, {transform_indices = @transform_1, window_bounds = array<i64: 2, 2000, 128>}, {pipeline_mode = #tpu.pipeline_mode<synchronous>, transform_indices = @transform_2, window_bounds = array<i64: 128, 512>}, {pipeline_mode = #tpu.pipeline_mode<synchronous>, transform_indices = @transform_3, window_bounds = array<i64: 128, 512>}, {pipeline_mode = #tpu.pipeline_mode<synchronous>, transform_indices = @transform_4, window_bounds = array<i64: 1, 512>}, {pipeline_mode = #tpu.pipeline_mode<synchronous>, transform_indices = @transform_5, window_bounds = array<i64: 512, 512>}, {pipeline_mode = #tpu.pipeline_mode<synchronous>, transform_indices = @transform_6, window_bounds = array<i64: 1, 512>}, {pipeline_mode = #tpu.pipeline_mode<synchronous>, transform_indices = @transform_7, window_bounds = array<i64: 512, 1>}, {pipeline_mode = #tpu.pipeline_mode<synchronous>, transform_indices = @transform_8, window_bounds = array<i64: 1, 1>}, {transform_indices = @transform_9, window_bounds = array<i64: 2000, 1>}]} {
    %get3A = arith.constant 0 : index
    %get3A_0 = arith.constant 0 : index
    %get3A_1 = arith.constant 0 : index
    %get3A_2 = vector.load %arg2[%get3A, %get3A_0, %get3A_1] : memref<2x2000x128xf32, #tpu.memory_space<vmem>>, vector<1x2000x128xf32>
    %get3A_3 = vector.shape_cast %get3A_2 : vector<1x2000x128xf32> to vector<2000x128xf32>
    %get3A_4 = arith.constant 1 : index
    %get3A_5 = arith.constant 0 : index
    %get3A_6 = arith.constant 0 : index
    %get3A_7 = vector.load %arg2[%get3A_4, %get3A_5, %get3A_6] : memref<2x2000x128xf32, #tpu.memory_space<vmem>>, vector<1x2000x128xf32>
    %get3A_8 = vector.shape_cast %get3A_7 : vector<1x2000x128xf32> to vector<2000x128xf32>
    %add3A = arith.addf %get3A_3, %get3A_8 : vector<2000x128xf32>
    %get3A_9 = arith.constant 0 : index
    %get3A_10 = arith.constant 0 : index
    %get3A_11 = vector.load %arg1[%get3A_9, %get3A_10] : memref<2000x128xf32, #tpu.memory_space<vmem>>, vector<2000x128xf32>
    %get3A_12 = arith.constant 0 : index
    %get3A_13 = arith.constant 0 : index
    %get3A_14 = vector.load %arg3[%get3A_12, %get3A_13] : memref<128x512xf32, #tpu.memory_space<vmem>>, vector<128x512xf32>
    %dot_general3A = arith.constant dense<0.000000e+00> : vector<2000x512xf32>
    %dot_general3A_15 = tpu.matmul %get3A_11, %get3A_14, %dot_general3A {dimension_numbers = #tpu.dot_dimension_numbers<[1], [0], [0], [1], [0, 0, 1, 1], [], []>, transpose_lhs_hint = false} : vector<2000x128xf32>, vector<128x512xf32>, vector<2000x512xf32> -> vector<2000x512xf32>
    %get3A_16 = arith.constant 0 : index
    %get3A_17 = arith.constant 0 : index
    %get3A_18 = vector.load %arg4[%get3A_16, %get3A_17] : memref<128x512xf32, #tpu.memory_space<vmem>>, vector<128x512xf32>
    %dot_general3A_19 = arith.constant dense<0.000000e+00> : vector<2000x512xf32>
    %dot_general3A_20 = tpu.matmul %add3A, %get3A_18, %dot_general3A_19 {dimension_numbers = #tpu.dot_dimension_numbers<[1], [0], [0], [1], [0, 0, 1, 1], [], []>, transpose_lhs_hint = false} : vector<2000x128xf32>, vector<128x512xf32>, vector<2000x512xf32> -> vector<2000x512xf32>
    %add3A_21 = arith.addf %dot_general3A_15, %dot_general3A_20 : vector<2000x512xf32>
    %get3A_22 = arith.constant 0 : index
    %get3A_23 = arith.constant 0 : index
    %get3A_24 = vector.load %arg5[%get3A_22, %get3A_23] : memref<1x512xf32, #tpu.memory_space<vmem>>, vector<1x512xf32>
    %add3A_25 = vector.broadcast %get3A_24 : vector<1x512xf32> to vector<2000x512xf32>
    %add3A_26 = arith.addf %add3A_21, %add3A_25 : vector<2000x512xf32>
    %ge3A = arith.constant 0.000000e+00 : f32
    %ge3A_27 = vector.broadcast %ge3A : f32 to vector<2000x512xf32>
    %ge3A_28 = arith.cmpf oge, %add3A_26, %ge3A_27 : vector<2000x512xf32>
    %mul3A = arith.constant 1.000000e-01 : f32
    %mul3A_29 = vector.broadcast %mul3A : f32 to vector<2000x512xf32>
    %mul3A_30 = arith.mulf %mul3A_29, %add3A_26 : vector<2000x512xf32>
    %select_n3A = arith.select %ge3A_28, %add3A_26, %mul3A_30 : vector<2000x512xi1>, vector<2000x512xf32>
    %get3A_31 = arith.constant 0 : index
    %get3A_32 = arith.constant 0 : index
    %get3A_33 = vector.load %arg6[%get3A_31, %get3A_32] : memref<512x512xf32, #tpu.memory_space<vmem>>, vector<512x512xf32>
    %dot_general3A_34 = arith.constant dense<0.000000e+00> : vector<2000x512xf32>
    %dot_general3A_35 = tpu.matmul %select_n3A, %get3A_33, %dot_general3A_34 {dimension_numbers = #tpu.dot_dimension_numbers<[1], [0], [0], [1], [0, 0, 1, 1], [], []>, transpose_lhs_hint = false} : vector<2000x512xf32>, vector<512x512xf32>, vector<2000x512xf32> -> vector<2000x512xf32>
    %get3A_36 = arith.constant 0 : index
    %get3A_37 = arith.constant 0 : index
    %get3A_38 = vector.load %arg7[%get3A_36, %get3A_37] : memref<1x512xf32, #tpu.memory_space<vmem>>, vector<1x512xf32>
    %add3A_39 = vector.broadcast %get3A_38 : vector<1x512xf32> to vector<2000x512xf32>
    %add3A_40 = arith.addf %dot_general3A_35, %add3A_39 : vector<2000x512xf32>
    %ge3A_41 = arith.constant 0.000000e+00 : f32
    %ge3A_42 = vector.broadcast %ge3A_41 : f32 to vector<2000x512xf32>
    %ge3A_43 = arith.cmpf oge, %add3A_40, %ge3A_42 : vector<2000x512xf32>
    %mul3A_44 = arith.constant 1.000000e-01 : f32
    %mul3A_45 = vector.broadcast %mul3A_44 : f32 to vector<2000x512xf32>
    %mul3A_46 = arith.mulf %mul3A_45, %add3A_40 : vector<2000x512xf32>
    %select_n3A_47 = arith.select %ge3A_43, %add3A_40, %mul3A_46 : vector<2000x512xi1>, vector<2000x512xf32>
    %get3A_48 = arith.constant 0 : index
    %get3A_49 = arith.constant 0 : index
    %get3A_50 = vector.load %arg8[%get3A_48, %get3A_49] : memref<512x1xf32, #tpu.memory_space<vmem>>, vector<512x1xf32>
    %dot_general3A_51 = arith.constant dense<0.000000e+00> : vector<2000x1xf32>
    %dot_general3A_52 = tpu.matmul %select_n3A_47, %get3A_50, %dot_general3A_51 {dimension_numbers = #tpu.dot_dimension_numbers<[1], [0], [0], [1], [0, 0, 1, 1], [], []>, transpose_lhs_hint = false} : vector<2000x512xf32>, vector<512x1xf32>, vector<2000x1xf32> -> vector<2000x1xf32>
    %get3A_53 = arith.constant 0 : index
    %get3A_54 = arith.constant 0 : index
    %get3A_55 = vector.load %arg9[%get3A_53, %get3A_54] : memref<1x1xf32, #tpu.memory_space<vmem>>, vector<1x1xf32>
    %add3A_56 = vector.broadcast %get3A_55 : vector<1x1xf32> to vector<2000x1xf32>
    %add3A_57 = arith.addf %dot_general3A_52, %add3A_56 : vector<2000x1xf32>
    %swap3A = arith.constant 0 : index
    %swap3A_58 = arith.constant 0 : index
    %swap3A_59 = vector.load %arg10[%swap3A, %swap3A_58] : memref<2000x1xf32, #tpu.memory_space<vmem>>, vector<2000x1xf32>
    tpu.vector_store %arg10[%swap3A, %swap3A_58], %add3A_57 {strides = array<i32>} : memref<2000x1xf32, #tpu.memory_space<vmem>>, vector<2000x1xf32>,
    return
  }
  func.func @transform_0(%arg0: i32) -> (i32, i32) {
    %c0_i32 = arith.constant 0 : i32
    %c0_i32_0 = arith.constant 0 : i32
    return %arg0, %c0_i32 : i32, i32
  }
  func.func @transform_1(%arg0: i32) -> (i32, i32, i32) {
    %c0_i32 = arith.constant 0 : i32
    %c0_i32_0 = arith.constant 0 : i32
    %c0_i32_1 = arith.constant 0 : i32
    return %c0_i32, %arg0, %c0_i32_0 : i32, i32, i32
  }
  func.func @transform_2(%arg0: i32) -> (i32, i32) {
    %c0_i32 = arith.constant 0 : i32
    %c0_i32_0 = arith.constant 0 : i32
    %c0_i32_1 = arith.constant 0 : i32
    return %c0_i32, %c0_i32_0 : i32, i32
  }
  func.func @transform_3(%arg0: i32) -> (i32, i32) {
    %c0_i32 = arith.constant 0 : i32
    %c0_i32_0 = arith.constant 0 : i32
    %c0_i32_1 = arith.constant 0 : i32
    return %c0_i32, %c0_i32_0 : i32, i32
  }
  func.func @transform_4(%arg0: i32) -> (i32, i32) {
    %c0_i32 = arith.constant 0 : i32
    %c0_i32_0 = arith.constant 0 : i32
    %c0_i32_1 = arith.constant 0 : i32
    return %c0_i32, %c0_i32_0 : i32, i32
  }
  func.func @transform_5(%arg0: i32) -> (i32, i32) {
    %c0_i32 = arith.constant 0 : i32
    %c0_i32_0 = arith.constant 0 : i32
    %c0_i32_1 = arith.constant 0 : i32
    return %c0_i32, %c0_i32_0 : i32, i32
  }
  func.func @transform_6(%arg0: i32) -> (i32, i32) {
    %c0_i32 = arith.constant 0 : i32
    %c0_i32_0 = arith.constant 0 : i32
    %c0_i32_1 = arith.constant 0 : i32
    return %c0_i32, %c0_i32_0 : i32, i32
  }
  func.func @transform_7(%arg0: i32) -> (i32, i32) {
    %c0_i32 = arith.constant 0 : i32
    %c0_i32_0 = arith.constant 0 : i32
    %c0_i32_1 = arith.constant 0 : i32
    return %c0_i32, %c0_i32_0 : i32, i32
  }
  func.func @transform_8(%arg0: i32) -> (i32, i32) {
    %c0_i32 = arith.constant 0 : i32
    %c0_i32_0 = arith.constant 0 : i32
    %c0_i32_1 = arith.constant 0 : i32
    return %c0_i32, %c0_i32_0 : i32, i32
  }
  func.func @transform_9(%arg0: i32) -> (i32, i32) {
    %c0_i32 = arith.constant 0 : i32
    %c0_i32_0 = arith.constant 0 : i32
    return %arg0, %c0_i32 : i32, i32
  }
}

</mosaic_0001>

<sc_bundles>
// kernel: kernel.4.cloned.1.call-start
scs
__scs_entry_jumppad:
0x0: {  	(pc) =	sbr.rel $0x88, $3  }
0x1: {  	(tag) =	ssettag $0x0;
	lr =	simm.s32 $0x1  }
0x2: {  	[smem:$0x3F99] =	sst lr;
	_ =	strace $0xD0000000  }
0x3: {  	_ = 	snop  }
0x4: {  	_ = 	snop  }
0x5: {  	_ = 	snop  }
0x6: {  	_ = 	snop  }
0x7: {  	_ = 	snop  }
__scs_overlays_trampoline_lowered:
0x8: {  	[smem:$0x3FA8] =	sst s0  }
0x9: {  	[smem:$0x3FA9] =	sst s1  }
0xa: {  	[smem:$0x3FAA] =	sst s2  }
0xb: {  	[smem:$0x3FAB] =	sst s3  }
0xc: {  	[smem:$0x3FAC] =	sst s4  }
0xd: {  	[smem:$0x3FAD] =	sst s5  }
0xe: {  	[smem:$0x3FAE] =	sst s6  }
0xf: {  	[smem:$0x3FAF] =	sst s7  }
0x10: {  	[smem:$0x3FB0] =	sst s8  }
0x11: {  	[smem:$0x3FB1] =	sst s9;
	s0 =	simm.s32 @!p0 $0x0  }
0x12: {  	s1 =	sld [smem:$0x3F97];
	s0 =	simm.s32 @p0 $0x1  }
0x13: {  	[smem:$0x3FB2] =	sst s0;
	s0 =	simm.s32 @!p1 $0x0  }
0x14: {  	s2 =	sld [smem:$0x3F96];
	s0 =	simm.s32 @p1 $0x1  }
0x15: {  	[smem:$0x3FB3] =	sst s0;
	s0 =	simm.s32 @!p2 $0x0  }
0x16: {  	s3 =	sld [smem:$0x3FDB];
	s0 =	simm.s32 @p2 $0x1  }
0x17: {  	s4 =	simm.s32 $0x1BF5;
	[smem:$0x3FB5] =	sst s0  }
0x18: {  	s0 =	sld [smem:$0x3F98];
	_ =	swait.ge [sflag:s4], $0x0  }
0x19: {  	s7 =	sld [smem:$0x3F99]  }
0x1a: {  	s8 =	sadd.s32 $0xFFFFE003, lr  }
0x1b: {  	s9 =	sadd.s32 $0xFFFFFEF7, lr;
	s5 =	simm.s32 $0xFFFFFFFF;
	p2 =	slt.u32 s8, $0xFFFFF086  }
0x1c: {  	p1 =	slt.u32 s9, $0xF7A;
	s5 =	simm.s32 @!p2 $0x0  }
0x1d: {  	s5 =	simm.s32 @p1 $0x1;
	p0 =	seq.s32 s7, s2  }
0x1e: {  	s7 =	smul.u32 @!p0 $0xF7A, s2;
	p2 =	seq.s32 @!p0 s5, $0x0  }
0x1f: {  	s9 =	smul.u32 $0xF7A, s1;
	s8 =	simm.s32 @!p0 $0x1BF5;
	p2 =	por !p2, p0  }
0x20: {  	[sflag:s8] =	ssyncset.s32 @!p0 $0xFFFFF086;
	s6 =	sadd.s32 @!p0 s3, s7;
	s7 =	simm.s32 @!p0 $0x108  }
0x21: {  	s3 =	sadd.s32 s3, s9;
	s6 =	sadd.s32 @!p0 $0x88, s6;
	s7 =	simm.s32 @p2 $0x1082  }
0x22: {  	[simem:s7], [sflag:s8] =	dma.local @!p0 [hbm:s6], $0xF7A  }
0x23: {  	s9 =	sor.u32 $0xD0000000, s2;
	s6 =	simm.s32 $0x108;
	_ =	swait.ge @!p0 [sflag:s8], $0x0  }
0x24: {  	s3 =	sadd.s32 $0x88, s3;
	s6 =	simm.s32 @!p1 $0x1082;
	[sflag:s4] =	ssyncset.s32 $0xFFFFF086  }
0x25: {  	[simem:s6], [sflag:s4] =	dma.local [hbm:s3], $0xF7A  }
0x26: {  	[smem:$0x3F99] =	sst s1;
	(tag) =	ssettag s2;
	_ =	strace s9  }
0x27: {  	s1 =	sld [smem:$0x3FA9]  }
0x28: {  	s2 =	sld [smem:$0x3FAA]  }
0x29: {  	s4 =	sld [smem:$0x3FAC]  }
0x2a: {  	p0 =	seq.s32 s5, $0x0;
	s5 =	sld [smem:$0x3FAD]  }
0x2b: {  	s6 =	sld [smem:$0x3FAE]  }
0x2c: {  	s7 =	sld [smem:$0x3FAF]  }
0x2d: {  	s3 =	simm.s32 $0x108;
	s8 =	sld [smem:$0x3FB0]  }
0x2e: {  	s3 =	simm.s32 @!p0 $0x1082;
	s9 =	sld [smem:$0x3FB1]  }
0x2f: {  	lr =	sadd.s32 s0, s3;
	s0 =	sld [smem:$0x3FA8]  }
0x30: {  	s3 =	sld [smem:$0x3FAB]  }
0x31: {  	[smem:$0x3FB4] =	sst s10  }
0x32: {  	s10 =	sld [smem:$0x3FB2];
	_ =	sdelay $0x3  }
0x33: {  	p0 =	seq.s32 s10, $0x1;
	s10 =	sld [smem:$0x3FB4];
	_ =	sdelay $0x3  }
0x34: {  	[smem:$0x3FB4] =	sst s10  }
0x35: {  	s10 =	sld [smem:$0x3FB3];
	_ =	sdelay $0x3  }
0x36: {  	p1 =	seq.s32 s10, $0x1;
	s10 =	sld [smem:$0x3FB4];
	_ =	sdelay $0x3  }
0x37: {  	[smem:$0x3FB4] =	sst s10  }
0x38: {  	s10 =	sld [smem:$0x3FB5]  }
0x39: {  	_ = 	snop;
	(pc) =	sbr.ind lr, $3  }
0x3a: {  	_ = 	snop  }
0x3b: {  	_ = 	snop  }
0x3c: {  	p2 =	seq.s32 s10, $0x1;
	s10 =	sld [smem:$0x3FB4]  }
0x3d: {  	_ =	shalt  }
0x3e: {  	_ =	shalt  }
0x3f: {  	_ =	shalt  }
0x40: {  	_ =	shalt  }
0x41: {  	_ =	shalt  }
0x42: {  	_ =	shalt  }
0x43: {  	_ =	shalt  }
0x44: {  	_ =	shalt  }
0x45: {  	_ =	shalt  }
0x46: {  	_ =	shalt  }
0x47: {  	_ =	shalt  }
0x48: {  	_ =	shalt  }
0x49: {  	_ =	shalt  }
0x4a: {  	_ =	shalt  }
0x4b: {  	_ =	shalt  }
0x4c: {  	_ =	shalt  }
0x4d: {  	_ =	shalt  }
0x4e: {  	_ =	shalt  }
0x4f: {  	_ =	shalt  }
0x50: {  	_ =	shalt  }
0x51: {  	_ =	shalt  }
0x52: {  	_ =	shalt  }
0x53: {  	_ =	shalt  }
0x54: {  	_ =	shalt  }
0x55: {  	_ =	shalt  }
0x56: {  	_ =	shalt  }
0x57: {  	_ =	shalt  }
0x58: {  	_ =	shalt  }
0x59: {  	_ =	shalt  }
0x5a: {  	_ =	shalt  }
0x5b: {  	_ =	shalt  }
0x5c: {  	_ =	shalt  }
0x5d: {  	_ =	shalt  }
0x5e: {  	_ =	shalt  }
0x5f: {  	_ =	shalt  }
0x60: {  	_ =	shalt  }
0x61: {  	_ =	shalt  }
0x62: {  	_ =	shalt  }
0x63: {  	_ =	shalt  }
0x64: {  	_ =	shalt  }
0x65: {  	_ =	shalt  }
0x66: {  	_ =	shalt  }
0x67: {  	_ =	shalt  }
0x68: {  	_ =	shalt  }
0x69: {  	_ =	shalt  }
0x6a: {  	_ =	shalt  }
0x6b: {  	_ =	shalt  }
0x6c: {  	_ =	shalt  }
0x6d: {  	_ =	shalt  }
0x6e: {  	_ =	shalt  }
0x6f: {  	_ =	shalt  }
0x70: {  	_ =	shalt  }
0x71: {  	_ =	shalt  }
0x72: {  	_ =	shalt  }
0x73: {  	_ =	shalt  }
0x74: {  	_ =	shalt  }
0x75: {  	_ =	shalt  }
0x76: {  	_ =	shalt  }
0x77: {  	_ =	shalt  }
0x78: {  	_ =	shalt  }
0x79: {  	_ =	shalt  }
0x7a: {  	_ =	shalt  }
0x7b: {  	_ =	shalt  }
0x7c: {  	_ =	shalt  }
0x7d: {  	_ =	shalt  }
0x7e: {  	_ =	shalt  }
0x7f: {  	_ =	shalt  }
0x80: {  	_ =	shalt  }
0x81: {  	_ =	shalt  }
0x82: {  	_ =	shalt  }
0x83: {  	_ =	shalt  }
0x84: {  	_ =	shalt  }
0x85: {  	_ =	shalt  }
0x86: {  	_ =	shalt  }
0x87: {  	_ =	shalt  }
.Lfunc_end0:
.L_simem_size_0:
called_computation_lowered:
.L_overlay_start_0:
0x88: {  	s2 =	sld [smem:$0x3FD9]  }
0x89: {  	s3 =	sld [smem:$0x3FFE];
	_ =	sdelay $0x1  }
0x8a: {  	s1 =	srdreg.scid  }
0x8b: {  	s0 =	sand.u32 $0x1, s1  }
0x8c: {  	s17 =	sshll.u32 s0, $0xA;
	s2 =	sadd.s32 s3, s2  }
0x8d: {  	s2 =	sadd.s32 s2, s17  }
0x8e: {  	[smem:$0x3FC0] =	sst s2  }
0x8f: {  	_ = 	snop  }
0x90: {  	s2 =	sld [smem:$0x3FC9];
	(tm) =	ssettm $0x1  }
0x91: {  	s18 =	sld [smem:$0x3FFB];
	_ =	sdelay $0x3  }
0x92: {  	_ =	strace s18  }
0x93: {  	s3 =	sld [smem:$0x3FFC];
	_ =	sdelay $0x3  }
0x94: {  	_ =	strace s3  }
0x95: {  	s3 =	sld [smem:$0x3FFD];
	_ =	sdelay $0x3  }
0x96: {  	_ =	strace s3  }
0x97: {  	_ =	strace $0x8FFFFFFF  }
0x98: {  	s19 =	sld [smem:$0x3FDB];
	_ =	sdelay $0x1  }
0x99: {  	s4 =	simm.s32 $_scs_section_size  }
0x9a: {  	s5 =	simm.s32 $_size__tile_overlayer_lowered;
	s6 =	simm.s32 $_tile_overlayer_lowered  }
0x9b: {  	s22 =	simm.s32 $0x1BFF;
	s21 =	sshll.u32 s6, $0x1;
	s3 =	sadd.s32 s4, s19  }
0x9c: {  	s7 =	simm.s32 $0x0;
	s20 =	sshll.u32 s5, $0x1;
	s5 =	sadd.s32 s21, s3  }
0x9d: {  	[timem:s7], [sflag:s22] =	dma.local [hbm:s5], s20  }
0x9e: {  	_ =	swait.ge [sflag:s22], s20  }
0x9f: {  	s4 =	ssub.s32 $0x0, s20;
	[sflag:s22] =	ssyncset.done $0x0  }
0xa0: {  	[sflag:s22] =	ssyncadd.s32 s4;
	_ =	sdelay $0x1  }
0xa1: {  	s23 =	simm.s32 $0x1B8B  }
0xa2: {  	_ =	swait.ge [sflag:s23], $0x1  }
0xa3: {  	[sflag:s23] =	ssyncset.done $0x0  }
0xa4: {  	s25 =	simm.s32 $0x1B8E;
	s24 =	sld [smem:$0x3FFE];
	[sflag:s23] =	ssyncadd.s32 $0xFFFFFFFF  }
0xa5: {  	s26 =	simm.s32 $execute0_lowered;
	[smem:$0x3FD2] =	sst s25  }
0xa6: {  	s5 =	sshll.u32 s26, $0x1;
	_ =	strace $0x80000046;
	[dreg:$0x1] =	wrdreg $0xFFFFFFFF  }
0xa7: {  	s28 =	simm.s32 $_size_execute0_lowered;
	s3 =	sadd.s32 s3, s5;
	[dreg:$0x0] =	wrdreg $0x0  }
0xa8: {  	s5 =	sshll.u32 s28, $0x1;
	[dreg:$0x2] =	wrdreg s3  }
0xa9: {  	[dreg:$0x3] =	wrdreg s5  }
0xaa: {  	[dreg:$0x4] =	wrdreg $0xC0  }
0xab: {  	_ =	task [dreg:s7], $0x5FFFF  }
0xac: {  	[dreg:$0x1] =	wrdreg $0xFFFFFFFF  }
0xad: {  	[dreg:$0x0] =	wrdreg $0x60  }
0xae: {  	[dreg:$0x2] =	wrdreg s2  }
0xaf: {  	[dreg:$0x3] =	wrdreg s24  }
0xb0: {  	[dreg:$0x4] =	wrdreg $0xA8000  }
0xb1: {  	[dreg:$0x5] =	wrdreg $0x9  }
0xb2: {  	_ =	task.clear_ibuf [dreg:s7], $0x6FFFF;
	_ =	strace $0x90000046  }
0xb3: {  	s29 =	simm.s32 $0x9;
	_ =	strace $0x80000048  }
0xb4: {  	_ =	swait.ge [sflag:s29], $0x1  }
0xb5: {  	[sflag:s29] =	ssyncadd.s32 $0xFFFFFFFF  }
0xb6: {  	_ =	strace $0x90000048  }
0xb7: {  	_ =	sfence  }
0xb8: {  	s30 =	sld [smem:$0x0];
	_ =	sdelay $0x2  }
0xb9: {  	s31 =	sshll.u32 s1, $0xD;
	s1 =	sshrl.u32 s1, $0x2  }
0xba: {  	s3 =	sand.u32 $0x4000, s31;
	s1 =	sadd.s32 s1, s30  }
0xbb: {  	s0 =	sor.u32 s3, s0;
	s1 =	sshll.u32 s1, $0x11  }
0xbc: {  	s0 =	sor.u32 s1, s0  }
0xbd: {  	s0 =	sadd.s32 $0x8F2B, s0  }
0xbe: {  	[sflag:s0] =	ssyncadd.remote.s32 $0x1  }
0xbf: {  	_ =	sfence.sel $0xFFFF  }
0xc0: {  	[dreg:$0x0] =	wrdreg $0xFFFFFFFF;
	(pc) =	sbr.abs _section_cstart, $3  }
0xc1: {  	[dreg:$0x1] =	wrdreg $0xFFFFFFFF  }
0xc2: {  	_ =	task.clear_ibuf [dreg:s7], $0x2FFFF;
	_ =	strace $0x9FFFFFFF  }
0xc3: {  	(tm) =	ssettm $0x7FFFFFFF  }
tec
execute0_lowered:
.L_overlay_start_1:
0x0: {  	(tag) =	ssettag $0x1  }
0x1: {  	s2 =	rddreg [dreg:$0x0]  }
0x2: {  	s5 =	rddreg [dreg:$0x1]  }
0x3: {  	s3 =	rddreg [dreg:$0x2]  }
0x4: {  	s0 =	rddreg [dreg:$0x3];
	s1 =	stileid.u32  }
0x5: {  	s6 =	srdreg.scid;
	s4 =	simm.s32 $0x0;
	s16 =	simm.s32 $0x80  }
0x6: {  	s17 =	simm.s32 $0x2800;
	s18 =	simm.s32 $0x6800;
	s19 =	simm.s32 $0x1  }
0x7: {  	s20 =	simm.s32 $0x2;
	s21 =	simm.s32 $0x2700;
	s22 =	simm.s32 $0x2780  }
0x8: {  	s23 =	simm.s32 $0x0;
	s7 =	smul.u32 $0x13C00, s1;
	s6 =	sand.u32 $0x1, s6  }
0x9: {  	[smem:$0x7FF] =	sst s4;
	s9 =	sadd.s32 $0x1400, s5;
	s11 =	sadd.s32 $0xB400, s5  }
0xa: {  	s26 =	smul.u32 $0x4F000, s1;
	s12 =	sshll.u32 s1, $0x1;
	s30 =	sshll.u32 s1, $0x6  }
0xb: {  	s8 =	smul.u32 $0x13C000, s6;
	_ =	strace $0x80000047;
	s28 =	ssub.s32 $0x2, s6  }
0xc: {  	s6 =	sor.u32 s6, s12;
	s10 =	sshrl.u32 s7, $0x3;
	s29 =	sshrl.u32 s28, $0x1  }
0xd: {  	s12 =	smul.u32 $0x2800, s6;
	s6 =	sor.u32 $0x1C03, s30;
	s10 =	sadd.s32 s10, s5  }
0xe: {  	s7 =	sadd.s32 s7, s8;
	s8 =	sshrl.u32 s26, $0x2;
	s14 =	ssub.s32 s28, s29  }
0xf: {  	s7 =	sshrl.u32 s7, $0x3;
	s15 =	sadd.s32 s8, s3;
	s31 =	sshrl.u32 s12, $0x3  }
0x10: {  	s12 =	smax.u32 s14, $0x1;
	s14 =	simm.s32 $0x3;
	s13 =	sadd.s32 s7, s5  }
0x11: {  	s5 =	sadd.s32 $0x15400, s10;
	s7 =	sadd.s32 s9, s31;
	s10 =	sadd.s32 $0x280, s31  }
0x12: {  	s8 =	sadd.s32 s11, s31;
	s9 =	sadd.s32 s9, s10;
	s10 =	sadd.s32 s11, s10  }
0x13: {  	s11 =	sadd.s32 $0x3CC00, s13;
	s13 =	sshrl.u32 s15, $0x3;
	s15 =	simm.s32 $0x1400  }
.LBB2_1:
0x14: {  	[spmem:s13], [sflag:s6] =	dma.local [hbm:s5], $0x2780  }
0x15: {  	_ =	swait.ge [sflag:s14], $0x2780  }
0x16: {  	[sflag:s14] =	ssyncset.done $0x0  }
0x17: {  	[sflag:s14] =	ssyncadd.s32 $0xFFFFD880  }
0x18: {  	[bflag:$0x0] =	sbarrier.arrive $0xFFFF  }
0x19: {  	[tilespmem:s4], [sflag:$0x3] =	stream.linear.gather [hbm4b:s7+s4], $0x1400, $0x38;
	[tilespmem:$0x1E400] =	vst v63  }
0x1a: {  	_ =	swait.ge [sflag:s14], $0x1400  }
0x1b: {  	[sflag:s14] =	ssyncset.done $0x0  }
0x1c: {  	[sflag:s14] =	ssyncadd.s32 $0xFFFFEC00  }
0x1d: {  	[tilespmem:s15], [sflag:$0x3] =	stream.linear.gather [hbm4b:s8+s4], $0x1400, $0x38;
	[tilespmem:$0x1E400] =	vst v63  }
0x1e: {  	_ =	swait.ge [sflag:s14], $0x1400  }
0x1f: {  	[sflag:s14] =	ssyncset.done $0x0  }
0x20: {  	[sflag:s14] =	ssyncadd.s32 $0xFFFFEC00  }
0x21: {  	[tilespmem:s17], [sflag:$0x1] =	stream.indirect.gather [hbm4b:s2+s16], $0x80, s4, s16, $0xb8;
	[tilespmem:$0x1E400] =	vst v63  }
0x22: {  	_ = 	snop  }
0x23: {  	[tilespmem:s18], [sflag:$0x2] =	stream.indirect.gather [hbm4b:s2+s16], $0x80, s16, s16, $0xb8;
	[tilespmem:$0x1E400] =	vst v63  }
0x24: {  	_ =	swait.ge [sflag:s19], $0x4000  }
0x25: {  	[sflag:s19] =	ssyncset.done $0x0  }
0x26: {  	s24 =	simm.s32 $0x1400;
	[sflag:s19] =	ssyncadd.s32 $0xFFFFC000  }
0x27: {  	[spmem:s3] =	stream.indirect.scatter.add.f32 [tilespmem:s17], [sflag:$0x3], $0x80, s24, s16, $0xb8;
	[tilespmem:$0x1E400] =	vst v63  }
0x28: {  	_ =	swait.ge [sflag:s14], $0x4000  }
0x29: {  	[sflag:s14] =	ssyncset.done $0x0  }
0x2a: {  	s30 =	simm.s32 $0x100;
	[sflag:s14] =	ssyncadd.s32 $0xFFFFC000  }
0x2b: {  	[tilespmem:s17], [sflag:$0x1] =	stream.indirect.gather [hbm4b:s2+s16], $0x80, s30, s16, $0xb8;
	[tilespmem:$0x1E400] =	vst v63  }
0x2c: {  	_ =	swait.ge [sflag:s20], $0x4000  }
0x2d: {  	[sflag:s20] =	ssyncset.done $0x0  }
0x2e: {  	s31 =	simm.s32 $0x1480;
	[sflag:s20] =	ssyncadd.s32 $0xFFFFC000  }
0x2f: {  	[spmem:s3] =	stream.indirect.scatter.add.f32 [tilespmem:s18], [sflag:$0x3], $0x80, s31, s16, $0xb8;
	[tilespmem:$0x1E400] =	vst v63  }
0x30: {  	_ =	swait.ge [sflag:s14], $0x4000  }
0x31: {  	[sflag:s14] =	ssyncset.done $0x0  }
0x32: {  	s25 =	simm.s32 $0x180;
	s24 =	simm.s32 $0x400;
	[sflag:s14] =	ssyncadd.s32 $0xFFFFC000  }
.LBB2_2:
0x33: {  	[tilespmem:s18], [sflag:$0x2] =	stream.indirect.gather [hbm4b:s2+s16], $0x80, s25, s16, $0xb8;
	[tilespmem:$0x1E400] =	vst v63  }
0x34: {  	s25 =	smov.u32 s24  }
0x35: {  	p0 =	sne.s32 s24, $0x4800;
	s24 =	sadd.s32 $0x400, s24;
	_ =	swait.ge [sflag:s19], $0x4000  }
0x36: {  	s25 =	sshra.s32 s25, $0x2;
	[sflag:s19] =	ssyncset.done $0x0  }
0x37: {  	s26 =	sadd.s32 $0x1400, s25;
	[sflag:s19] =	ssyncadd.s32 $0xFFFFC000  }
0x38: {  	[spmem:s3] =	stream.indirect.scatter.add.f32 [tilespmem:s17], [sflag:$0x3], $0x80, s26, s16, $0xb8;
	[tilespmem:$0x1E400] =	vst v63  }
0x39: {  	_ =	swait.ge [sflag:s14], $0x4000  }
0x3a: {  	[sflag:s14] =	ssyncset.done $0x0  }
0x3b: {  	s26 =	sadd.s32 $0x100, s25;
	[sflag:s14] =	ssyncadd.s32 $0xFFFFC000  }
0x3c: {  	[tilespmem:s17], [sflag:$0x1] =	stream.indirect.gather [hbm4b:s2+s16], $0x80, s26, s16, $0xb8;
	[tilespmem:$0x1E400] =	vst v63  }
0x3d: {  	_ =	swait.ge [sflag:s20], $0x4000  }
0x3e: {  	[sflag:s20] =	ssyncset.done $0x0  }
.Ltmp0:
0x3f: {  	s26 =	sadd.s32 $0x1480, s25;
	[sflag:s20] =	ssyncadd.s32 $0xFFFFC000;
	(pc) =	sbr.rel @p0 .LBB2_2-.Ltmp0, $4  }
0x40: {  	[spmem:s3] =	stream.indirect.scatter.add.f32 [tilespmem:s18], [sflag:$0x3], $0x80, s26, s16, $0xb8;
	[tilespmem:$0x1E400] =	vst v63  }
0x41: {  	_ =	swait.ge [sflag:s14], $0x4000  }
0x42: {  	[sflag:s14] =	ssyncset.done $0x0  }
0x43: {  	s25 =	sadd.s32 $0x180, s25;
	[sflag:s14] =	ssyncadd.s32 $0xFFFFC000  }
0x44: {  	[tilespmem:s18], [sflag:$0x2] =	stream.indirect.gather [hbm4b:s2+s16], $0x80, s25, s16, $0xb8;
	[tilespmem:$0x1E400] =	vst v63  }
0x45: {  	_ =	swait.ge [sflag:s19], $0x4000  }
0x46: {  	[sflag:s19] =	ssyncset.done $0x0  }
0x47: {  	[sflag:s19] =	ssyncadd.s32 $0xFFFFC000  }
0x48: {  	[spmem:s3] =	stream.indirect.scatter.add.f32 [tilespmem:s17], [sflag:$0x3], $0x80, s21, s16, $0xb8;
	[tilespmem:$0x1E400] =	vst v63  }
0x49: {  	_ =	swait.ge [sflag:s14], $0x4000  }
0x4a: {  	[sflag:s14] =	ssyncset.done $0x0  }
0x4b: {  	[sflag:s14] =	ssyncadd.s32 $0xFFFFC000  }
0x4c: {  	_ =	swait.ge [sflag:s20], $0x4000  }
0x4d: {  	[sflag:s20] =	ssyncset.done $0x0  }
0x4e: {  	[sflag:s20] =	ssyncadd.s32 $0xFFFFC000  }
0x4f: {  	[spmem:s3] =	stream.indirect.scatter.add.f32 [tilespmem:s18], [sflag:$0x3], $0x80, s22, s16, $0xb8;
	[tilespmem:$0x1E400] =	vst v63  }
0x50: {  	_ =	swait.ge [sflag:s14], $0x4000  }
0x51: {  	[sflag:s14] =	ssyncset.done $0x0  }
0x52: {  	s24 =	simm.s32 $0x0;
	[sflag:s14] =	ssyncadd.s32 $0xFFFFC000  }
0x53: {  	[tilespmem:s24], [sflag:$0x3] =	stream.linear.gather [hbm4b:s9+s24], $0x1400, $0x38;
	[tilespmem:$0x1E400] =	vst v63  }
0x54: {  	_ =	swait.ge [sflag:s14], $0x1400  }
0x55: {  	[sflag:s14] =	ssyncset.done $0x0  }
0x56: {  	[sflag:s14] =	ssyncadd.s32 $0xFFFFEC00  }
0x57: {  	[tilespmem:s15], [sflag:$0x3] =	stream.linear.gather [hbm4b:s10+s24], $0x1400, $0x38;
	[tilespmem:$0x1E400] =	vst v63  }
0x58: {  	_ =	swait.ge [sflag:s14], $0x1400  }
0x59: {  	[sflag:s14] =	ssyncset.done $0x0  }
0x5a: {  	[sflag:s14] =	ssyncadd.s32 $0xFFFFEC00  }
0x5b: {  	[tilespmem:s17], [sflag:$0x1] =	stream.indirect.gather [hbm4b:s2+s16], $0x80, s24, s16, $0xb8;
	[tilespmem:$0x1E400] =	vst v63  }
0x5c: {  	_ = 	snop  }
0x5d: {  	[tilespmem:s18], [sflag:$0x2] =	stream.indirect.gather [hbm4b:s2+s16], $0x80, s16, s16, $0xb8;
	[tilespmem:$0x1E400] =	vst v63  }
0x5e: {  	_ =	swait.ge [sflag:s19], $0x4000  }
0x5f: {  	[sflag:s19] =	ssyncset.done $0x0  }
0x60: {  	s29 =	simm.s32 $0x1400;
	[sflag:s19] =	ssyncadd.s32 $0xFFFFC000  }
0x61: {  	[spmem:s3] =	stream.indirect.scatter.add.f32 [tilespmem:s17], [sflag:$0x3], $0x80, s29, s16, $0xb8;
	[tilespmem:$0x1E400] =	vst v63  }
0x62: {  	_ =	swait.ge [sflag:s14], $0x4000  }
0x63: {  	[sflag:s14] =	ssyncset.done $0x0  }
0x64: {  	s30 =	simm.s32 $0x100;
	[sflag:s14] =	ssyncadd.s32 $0xFFFFC000  }
0x65: {  	[tilespmem:s17], [sflag:$0x1] =	stream.indirect.gather [hbm4b:s2+s16], $0x80, s30, s16, $0xb8;
	[tilespmem:$0x1E400] =	vst v63  }
0x66: {  	_ =	swait.ge [sflag:s20], $0x4000  }
0x67: {  	[sflag:s20] =	ssyncset.done $0x0  }
0x68: {  	s31 =	simm.s32 $0x1480;
	[sflag:s20] =	ssyncadd.s32 $0xFFFFC000  }
0x69: {  	[spmem:s3] =	stream.indirect.scatter.add.f32 [tilespmem:s18], [sflag:$0x3], $0x80, s31, s16, $0xb8;
	[tilespmem:$0x1E400] =	vst v63  }
0x6a: {  	_ =	swait.ge [sflag:s14], $0x4000  }
0x6b: {  	[sflag:s14] =	ssyncset.done $0x0  }
0x6c: {  	s25 =	simm.s32 $0x180;
	s24 =	simm.s32 $0x400;
	[sflag:s14] =	ssyncadd.s32 $0xFFFFC000  }
.LBB2_4:
0x6d: {  	[tilespmem:s18], [sflag:$0x2] =	stream.indirect.gather [hbm4b:s2+s16], $0x80, s25, s16, $0xb8;
	[tilespmem:$0x1E400] =	vst v63  }
0x6e: {  	s25 =	smov.u32 s24  }
0x6f: {  	p0 =	sne.s32 s24, $0x4800;
	s24 =	sadd.s32 $0x400, s24;
	_ =	swait.ge [sflag:s19], $0x4000  }
0x70: {  	s25 =	sshra.s32 s25, $0x2;
	[sflag:s19] =	ssyncset.done $0x0  }
0x71: {  	s26 =	sadd.s32 $0x1400, s25;
	[sflag:s19] =	ssyncadd.s32 $0xFFFFC000  }
0x72: {  	[spmem:s3] =	stream.indirect.scatter.add.f32 [tilespmem:s17], [sflag:$0x3], $0x80, s26, s16, $0xb8;
	[tilespmem:$0x1E400] =	vst v63  }
0x73: {  	_ =	swait.ge [sflag:s14], $0x4000  }
0x74: {  	[sflag:s14] =	ssyncset.done $0x0  }
0x75: {  	s26 =	sadd.s32 $0x100, s25;
	[sflag:s14] =	ssyncadd.s32 $0xFFFFC000  }
0x76: {  	[tilespmem:s17], [sflag:$0x1] =	stream.indirect.gather [hbm4b:s2+s16], $0x80, s26, s16, $0xb8;
	[tilespmem:$0x1E400] =	vst v63  }
0x77: {  	_ =	swait.ge [sflag:s20], $0x4000  }
0x78: {  	[sflag:s20] =	ssyncset.done $0x0  }
.Ltmp1:
0x79: {  	s26 =	sadd.s32 $0x1480, s25;
	[sflag:s20] =	ssyncadd.s32 $0xFFFFC000;
	(pc) =	sbr.rel @p0 .LBB2_4-.Ltmp1, $4  }
0x7a: {  	[spmem:s3] =	stream.indirect.scatter.add.f32 [tilespmem:s18], [sflag:$0x3], $0x80, s26, s16, $0xb8;
	[tilespmem:$0x1E400] =	vst v63  }
0x7b: {  	_ =	swait.ge [sflag:s14], $0x4000  }
0x7c: {  	[sflag:s14] =	ssyncset.done $0x0  }
0x7d: {  	s25 =	sadd.s32 $0x180, s25;
	[sflag:s14] =	ssyncadd.s32 $0xFFFFC000  }
0x7e: {  	[tilespmem:s18], [sflag:$0x2] =	stream.indirect.gather [hbm4b:s2+s16], $0x80, s25, s16, $0xb8;
	[tilespmem:$0x1E400] =	vst v63  }
0x7f: {  	_ =	swait.ge [sflag:s19], $0x4000  }
0x80: {  	[sflag:s19] =	ssyncset.done $0x0  }
0x81: {  	[sflag:s19] =	ssyncadd.s32 $0xFFFFC000  }
0x82: {  	[spmem:s3] =	stream.indirect.scatter.add.f32 [tilespmem:s17], [sflag:$0x3], $0x80, s21, s16, $0xb8;
	[tilespmem:$0x1E400] =	vst v63  }
0x83: {  	_ =	swait.ge [sflag:s14], $0x4000  }
0x84: {  	[sflag:s14] =	ssyncset.done $0x0  }
0x85: {  	[sflag:s14] =	ssyncadd.s32 $0xFFFFC000  }
0x86: {  	_ =	swait.ge [sflag:s20], $0x4000  }
0x87: {  	[sflag:s20] =	ssyncset.done $0x0  }
0x88: {  	[sflag:s20] =	ssyncadd.s32 $0xFFFFC000  }
0x89: {  	[spmem:s3] =	stream.indirect.scatter.add.f32 [tilespmem:s18], [sflag:$0x3], $0x80, s22, s16, $0xb8;
	[tilespmem:$0x1E400] =	vst v63  }
0x8a: {  	_ =	swait.ge [sflag:s14], $0x4000  }
0x8b: {  	s23 =	sadd.s32 $0x1, s23;
	[sflag:s14] =	ssyncset.done $0x0  }
0x8c: {  	p0 =	sne.s32 s23, s12;
	[sflag:s14] =	ssyncadd.s32 $0xFFFFC000  }
.Ltmp2:
0x8d: {  	[bflag:$0x0] =	sbarrier.arrive $0xFFFF;
	(pc) =	sbr.rel @p0 .LBB2_1-.Ltmp2, $4  }
0x8e: {  	[hbm:s11], [sflag:s6] =	dma.local [spmem:s13], $0x2780  }
0x8f: {  	_ =	swait.ge [sflag:s14], $0x2780  }
0x90: {  	[sflag:s14] =	ssyncset.done $0x0  }
0x91: {  	[sflag:s14] =	ssyncadd.s32 $0xFFFFD880  }
0x92: {  	_ =	sfence.sel $0x180000  }
0x93: {  	[bflag:$0x0] =	sbarrier.arrive $0xFFFF  }
0x94: {  	p0 =	sne.s32 s1, $0x0;
	_ =	strace $0x90000047  }
0x95: {  	s0 =	sadd.s32 @!p0 $0x100000, s0;
	[bflag:$0x2] =	sbarrier.arrive $0xFFFF  }
0x96: {  	[sflag:s0] =	ssyncadd.tile.s32 @!p0 $0x1;
	_ =	shalt  }
.Lfunc_end2:
_tile_overlayer_lowered:
.L_overlay_start_2:
0x97: {  	(tag) =	ssettag $0x2  }
0x98: {  	s0 =	rddreg [dreg:$0x0];
	s2 =	stileid.u32  }
0x99: {  	s1 =	rddreg [dreg:$0x1];
	p0 =	sne.s32 s2, $0x0  }
0x9a: {  	s3 =	rddreg [dreg:$0x2];
	[bflag:$0x3] =	sbarrier.arrive $0xFFFF;
	s2 =	simm.s32 @!p0 $0x1C03  }
0x9b: {  	[timem:s3], [sflag:s2] =	dma.local @!p0 [hbm:s0], s1  }
0x9c: {  	s0 =	simm.s32 @!p0 $0x3  }
0x9d: {  	_ =	swait.ge @!p0 [sflag:s0], s1  }
0x9e: {  	s1 =	ssub.s32 @!p0 $0x0, s1;
	[sflag:s0] =	ssyncset.done @!p0 $0x0  }
0x9f: {  	[sflag:s0] =	ssyncadd.s32 @!p0 s1  }
0xa0: {  	[bflag:$0x3] =	sbarrier.arrive $0xFFFF  }
0xa1: {  	_ =	shalt  }

</sc_bundles>
